<compile_context>
chip_gen: v7x
topology: tpu7x:2x2x1
jax: 0.10.2.dev20260603
libtpu: 0.0.44.dev20260713+nightly
codegen_flags: <defaults>
</compile_context>

<pallas_src>
import functools

import jax
import jax.numpy as jnp
from jax import lax
from jax.experimental import pallas as pl
from jax.experimental.pallas import tpu as pltpu
from jax.experimental.pallas import tpu_sc as plsc


def _sc_gather(y, idx_flat, n_pad):
    V, D = y.shape
    NE = idx_flat.shape[0]
    info = plsc.get_sparse_core_info()
    NC, NS = info.num_cores, info.num_subcores
    NW = NC * NS
    assert NE % NW == 0
    per_w = NE // NW
    assert per_w <= n_pad and n_pad % 8 == 0
    C = 40
    NBUF = 5
    K = 2
    assert per_w % (C * NBUF) == 0
    n_chunks = per_w // C

    mesh = plsc.VectorSubcoreMesh(core_axis_name="c", subcore_axis_name="s")

    @functools.partial(
        pl.kernel,
        out_type=jax.ShapeDtypeStruct((NW * n_pad, D), jnp.float32),
        mesh=mesh,
        scratch_types=[
            pltpu.VMEM_SHARED((V, D), jnp.float32),
            pltpu.VMEM((per_w,), jnp.int32),
            pltpu.VMEM((NBUF, C, D), jnp.float32),
            pltpu.SemaphoreType.DMA((NBUF,)),
            pltpu.SemaphoreType.DMA((NBUF,)),
        ],
    )
    def gather_kernel(y_hbm, idx_hbm, out_hbm, tab_sh, idx_all, rows_v, gsem, osem):
        wid = lax.axis_index("s") * NC + lax.axis_index("c")
        base = pl.multiple_of(wid * per_w, 8)
        base_out = pl.multiple_of(wid * n_pad, 8)

        @pl.when(lax.axis_index("s") == 0)
        def _():
            pltpu.sync_copy(y_hbm, tab_sh)

        pltpu.sync_copy(idx_hbm.at[pl.ds(base, per_w)], idx_all)
        plsc.subcore_barrier()

        def start_gather(c, b):
            off = pl.multiple_of(c * C, 8)
            pltpu.make_async_copy(
                tab_sh.at[idx_all.at[pl.ds(off, C)]], rows_v.at[b], gsem.at[b]
            ).start()

        def start_wb(c, b):
            off = pl.multiple_of(base_out + c * C, 8)
            pltpu.make_async_copy(
                rows_v.at[b], out_hbm.at[pl.ds(off, C)], osem.at[b]
            ).start()

        def wait_gather(b):
            pltpu.make_async_copy(
                tab_sh.at[idx_all.at[pl.ds(0, C)]], rows_v.at[b], gsem.at[b]
            ).wait()

        def wait_wb(b):
            pltpu.make_async_copy(
                rows_v.at[b], out_hbm.at[pl.ds(base_out, C)], osem.at[b]
            ).wait()

        for c in range(K):
            start_gather(c, c)

        def outer(o, carry):
            for b in range(NBUF):
                c = o * NBUF + b
                cn = c + K
                bn = (b + K) % NBUF

                @pl.when(jnp.logical_and(cn >= NBUF, cn < n_chunks))
                def _():
                    wait_wb(bn)
                    start_gather(cn, bn)

                @pl.when(jnp.logical_and(cn >= K, cn < NBUF))
                def _():
                    start_gather(cn, bn)

                wait_gather(b)
                start_wb(c, b)
            return carry

        lax.fori_loop(0, n_chunks // NBUF, outer, 0)

        for b in range(NBUF):
            wait_wb(b)

    return gather_kernel(y, idx_flat)


def _edge_block(gx_ref, e_ref, x_ref, ws_ref, wn_ref, we_ref, b_ref, bn, M, E, D):
    F = x_ref.shape[1]
    s = (
        jnp.dot(x_ref[...], ws_ref[...], preferred_element_type=jnp.float32)
        + b_ref[...]
    )
    gy = jnp.dot(
        gx_ref[...].reshape(M * bn, F).astype(jnp.bfloat16),
        wn_ref[...],
        preferred_element_type=jnp.float32,
    ).reshape(M, bn, D)
    t = lax.dot_general(
        e_ref[...], we_ref[...],
        dimension_numbers=(((1,), (0,)), ((), ())),
        preferred_element_type=jnp.float32,
    )
    return gy + s[None, :, :] + t


def _stats_kernel(gx3, nbrP, x, w_self, w_nbr_bf, w_edge, b2, *, bn, n_true):
    M, E, Np = nbrP.shape
    F = gx3.shape[2]
    D = w_self.shape[1]
    grid = Np // bn

    def body(gx_ref, e_ref, x_ref, ws_ref, wn_ref, we_ref, b_ref, st_ref):
        i = pl.program_id(0)

        @pl.when(i == 0)
        def _():
            st_ref[...] = jnp.zeros_like(st_ref)

        g = _edge_block(gx_ref, e_ref, x_ref, ws_ref, wn_ref, we_ref, b_ref,
                        bn, M, E, D)
        node = i * bn + lax.broadcasted_iota(jnp.int32, (1, bn, 1), 1)
        g = jnp.where(node < n_true, g, 0.0)
        st_ref[0:1, :] += jnp.sum(g, axis=(0, 1)).reshape(1, D)
        st_ref[1:2, :] += jnp.sum(g * g, axis=(0, 1)).reshape(1, D)

    return pl.pallas_call(
        body,
        grid=(grid,),
        in_specs=[
            pl.BlockSpec((M, bn, F), lambda i: (0, i, 0)),
            pl.BlockSpec((M, E, bn), lambda i: (0, 0, i)),
            pl.BlockSpec((bn, F), lambda i: (i, 0)),
            pl.BlockSpec((F, D), lambda i: (0, 0)),
            pl.BlockSpec((F, D), lambda i: (0, 0)),
            pl.BlockSpec((E, D), lambda i: (0, 0)),
            pl.BlockSpec((1, D), lambda i: (0, 0)),
        ],
        out_specs=pl.BlockSpec((8, D), lambda i: (0, 0)),
        out_shape=jax.ShapeDtypeStruct((8, D), jnp.float32),
    )(gx3, nbrP, x, w_self, w_nbr_bf, w_edge, b2)


def _apply_kernel(gx3, nbrP, x, w_self, w_nbr_bf, w_edge, b2, st1, gam1,
                  bet1, *, bn, n_true):
    M, E, Np = nbrP.shape
    F = gx3.shape[2]
    D = w_self.shape[1]
    grid = Np // bn

    ne_true = n_true * M

    def body(gx_ref, e_ref, x_ref, ws_ref, wn_ref, we_ref, b_ref,
             st1_ref, gam_ref, bet_ref, ns_ref, st_ref):
        i = pl.program_id(0)

        @pl.when(i == 0)
        def _():
            st_ref[...] = jnp.zeros_like(st_ref)

        mean1 = st1_ref[0:1, :] * (1.0 / ne_true)
        var1 = st1_ref[1:2, :] * (1.0 / ne_true) - mean1 * mean1
        a1 = gam_ref[...] * jax.lax.rsqrt(var1 + 1e-5)
        c1 = bet_ref[...] - mean1 * a1

        g = _edge_block(gx_ref, e_ref, x_ref, ws_ref, wn_ref, we_ref, b_ref,
                        bn, M, E, D)
        node = i * bn + lax.broadcasted_iota(jnp.int32, (1, bn, 1), 1)
        g = jnp.where(node < n_true, g, 0.0)
        g = (g * a1[None, :, :] + c1[None, :, :]).astype(jnp.bfloat16)
        filt = g[:, :, :F]
        core = g[:, :, F:]
        sig = 0.5 * (1.0 + jnp.tanh(0.5 * filt))
        sp = jnp.maximum(core, 0.0) + jnp.log(1.0 + jnp.exp(-jnp.abs(core)))
        ns = jnp.sum(sig * sp, axis=0, dtype=jnp.float32)
        node2 = i * bn + lax.broadcasted_iota(jnp.int32, (bn, 1), 0)
        ns = jnp.where(node2 < n_true, ns, 0.0)
        ns_ref[...] = ns
        st_ref[0:1, :] += jnp.sum(ns, axis=0).reshape(1, F)
        st_ref[1:2, :] += jnp.sum(ns * ns, axis=0).reshape(1, F)

    return pl.pallas_call(
        body,
        grid=(grid,),
        in_specs=[
            pl.BlockSpec((M, bn, F), lambda i: (0, i, 0)),
            pl.BlockSpec((M, E, bn), lambda i: (0, 0, i)),
            pl.BlockSpec((bn, F), lambda i: (i, 0)),
            pl.BlockSpec((F, D), lambda i: (0, 0)),
            pl.BlockSpec((F, D), lambda i: (0, 0)),
            pl.BlockSpec((E, D), lambda i: (0, 0)),
            pl.BlockSpec((1, D), lambda i: (0, 0)),
            pl.BlockSpec((8, D), lambda i: (0, 0)),
            pl.BlockSpec((1, D), lambda i: (0, 0)),
            pl.BlockSpec((1, D), lambda i: (0, 0)),
        ],
        out_specs=(
            pl.BlockSpec((bn, F), lambda i: (i, 0)),
            pl.BlockSpec((8, F), lambda i: (0, 0)),
        ),
        out_shape=(
            jax.ShapeDtypeStruct((Np, F), jnp.float32),
            jax.ShapeDtypeStruct((8, F), jnp.float32),
        ),
    )(gx3, nbrP, x, w_self, w_nbr_bf, w_edge, b2, st1, gam1, bet1)


def _finish_kernel(x, ns, st2, gam2, bet2, n_true):
    Np, F = x.shape

    def body(x_ref, ns_ref, st_ref, gam_ref, bet_ref, o_ref):
        mean2 = st_ref[0:1, :] * (1.0 / n_true)
        var2 = st_ref[1:2, :] * (1.0 / n_true) - mean2 * mean2
        a2 = gam_ref[...] * jax.lax.rsqrt(var2 + 1e-5)
        c2 = bet_ref[...] - mean2 * a2
        v = x_ref[...] + ns_ref[...] * a2 + c2
        o_ref[...] = jnp.maximum(v, 0.0) + jnp.log(1.0 + jnp.exp(-jnp.abs(v)))

    return pl.pallas_call(
        body,
        out_shape=jax.ShapeDtypeStruct((Np, F), jnp.float32),
    )(x, ns, st2, gam2, bet2)


def kernel(atom_in_fea, nbr_fea, nbr_fea_idx, W, b, gamma1, beta1, gamma2, beta2):
    B, A, F = atom_in_fea.shape
    M = nbr_fea.shape[2]
    E = nbr_fea.shape[3]
    N = B * A
    D = 2 * F
    NE = N * M

    x = atom_in_fea.reshape(N, F)
    bn = 512
    Np = (N + bn - 1) // bn * bn
    nbrP = jnp.transpose(nbr_fea.reshape(N, M, E), (1, 2, 0))
    nbrP = jnp.pad(nbrP, ((0, 0), (0, 0), (0, Np - N)))
    xp = jnp.pad(x, ((0, Np - N), (0, 0)))
    idx_flat = jnp.transpose(nbr_fea_idx.reshape(N, M), (1, 0)).reshape(NE)

    w_self = W[:F]
    w_nbr_bf = W[F : 2 * F].astype(jnp.bfloat16)
    w_edge = W[2 * F :]
    b2 = b.reshape(1, D)

    gx3 = _sc_gather(x, idx_flat, Np).reshape(M, Np, F)

    st1 = _stats_kernel(gx3, nbrP, xp, w_self, w_nbr_bf, w_edge, b2, bn=bn,
                        n_true=N)
    ns, st2 = _apply_kernel(gx3, nbrP, xp, w_self, w_nbr_bf, w_edge, b2, st1,
                            gamma1.reshape(1, D), beta1.reshape(1, D),
                            bn=bn, n_true=N)
    out = _finish_kernel(xp, ns, st2, gamma2.reshape(1, F),
                         beta2.reshape(1, F), N)
    return out[:N].reshape(B, A, F)

# --- scband reference (transcript-rebuilt; emitter-appended) ---
"""Pipeline reference for scband-conv-layer-78494822302099 (READ-ONLY COPY).

The authoritative reference and input builder live on the scoring server;
editing this copy changes nothing except your own understanding.
"""

import jax, jax.numpy as jnp
import numpy as np


def setup_inputs(seed: int = 0) -> dict:
    key = jax.random.key(seed)
    ks = jax.random.split(key, 6)
    B, A, M = 1, 10000, 32
    atom_fea_len, nbr_fea_len = 128, 16
    atom_in_fea = jax.random.normal(ks[0], (B, A, atom_fea_len), dtype=jnp.float32)
    nbr_fea = jax.random.normal(ks[1], (B, A, M, nbr_fea_len), dtype=jnp.float32)
    nbr_fea_idx = jax.random.randint(ks[2], (B, A, M), 0, B * A, dtype=jnp.int32)
    # fc_full: Linear(2*atom_fea_len + nbr_fea_len -> 2*atom_fea_len)
    fan_in = 2 * atom_fea_len + nbr_fea_len
    W = jax.random.normal(ks[3], (fan_in, 2 * atom_fea_len), dtype=jnp.float32) * (1.0 / np.sqrt(fan_in))
    b = jnp.zeros((2 * atom_fea_len,), dtype=jnp.float32)
    # BatchNorm affine params (training-mode batch stats used in reference)
    gamma1 = jnp.ones((2 * atom_fea_len,), dtype=jnp.float32)
    beta1 = jnp.zeros((2 * atom_fea_len,), dtype=jnp.float32)
    gamma2 = jnp.ones((atom_fea_len,), dtype=jnp.float32)
    beta2 = jnp.zeros((atom_fea_len,), dtype=jnp.float32)
    return {"atom_in_fea": atom_in_fea, "nbr_fea": nbr_fea, "nbr_fea_idx": nbr_fea_idx,
            "W": W, "b": b, "gamma1": gamma1, "beta1": beta1, "gamma2": gamma2, "beta2": beta2}


def _batchnorm(x, gamma, beta, eps=1e-5):
    mean = jnp.mean(x, axis=0)
    var = jnp.var(x, axis=0)
    return (x - mean) / jnp.sqrt(var + eps) * gamma + beta


def reference(atom_in_fea, nbr_fea, nbr_fea_idx, W, b, gamma1, beta1, gamma2, beta2):
    B, A, Fd = atom_in_fea.shape
    M = nbr_fea.shape[2]
    x = atom_in_fea.reshape(B * A, Fd)
    nbr = nbr_fea.reshape(B * A, M, -1)
    idx = nbr_fea_idx.reshape(B * A, M)
    atom_nbr_fea = jnp.take(x, idx, axis=0)  # gather: [B*A, M, Fd]
    self_fea = jnp.broadcast_to(x[:, None, :], (B * A, M, Fd))
    total_nbr_fea = jnp.concatenate([self_fea, atom_nbr_fea, nbr], axis=2)
    total_gated_fea = total_nbr_fea @ W + b  # [B*A, M, 2*Fd]
    g = total_gated_fea.reshape(-1, 2 * Fd)
    g = _batchnorm(g, gamma1, beta1)
    total_gated_fea = g.reshape(B * A, M, 2 * Fd)
    nbr_filter, nbr_core = jnp.split(total_gated_fea, 2, axis=2)
    nbr_filter = jax.nn.sigmoid(nbr_filter)
    nbr_core = jax.nn.softplus(nbr_core)
    nbr_sumed = jnp.sum(nbr_filter * nbr_core, axis=1)  # [B*A, Fd]
    nbr_sumed = _batchnorm(nbr_sumed, gamma2, beta2)
    out = jax.nn.softplus(x + nbr_sumed)
    return out.reshape(B, A, -1)

if __name__ == "__main__":
    import jax
    _d = setup_inputs()
    print(jax.jit(kernel)(*tuple(_d.values())))

</pallas_src>

<mosaic_0001>
#map = affine_map<(d0, d1) -> (0, 0)>
#map1 = affine_map<(d0, d1) -> (0)>
module attributes {stable_mosaic.version = 14 : i64} {
  func.func @gather_kernel(%arg0: i32, %arg1: i32, %arg2: memref<10000x128xf32, #tpu.memory_space<hbm>>, %arg3: memref<320000xi32, #tpu.memory_space<hbm>>, %arg4: memref<327680x128xf32, #tpu.memory_space<hbm>>, %arg5: memref<10000x128xf32, #tpu.memory_space<vmem_shared>>, %arg6: memref<10000xi32, #tpu.memory_space<vmem>>, %arg7: memref<5x40x128xf32, #tpu.memory_space<vmem>>, %arg8: memref<5x!tpu.dma_semaphore, #tpu.memory_space<semaphore_mem>>, %arg9: memref<5x!tpu.dma_semaphore, #tpu.memory_space<semaphore_mem>>) attributes {dimension_semantics = [#tpu.dimension_semantics<core_parallel>, #tpu.dimension_semantics<subcore_parallel>], iteration_bounds = array<i64: 2, 16>, scalar_prefetch = 0 : i64, scratch_operands = 5 : i64, tpu.core_type = #tpu.core_type<sc_vector_subcore>, window_params = [{transform_indices = #map}, {transform_indices = #map1}, {transform_indices = #map}]} {
    %mul3A = arith.constant 2 : i32
    %mul3A_0 = arith.muli %arg1, %mul3A : i32
    %add3A = arith.addi %mul3A_0, %arg0 : i32
    %mul3A_1 = arith.constant 10000 : i32
    %mul3A_2 = arith.muli %add3A, %mul3A_1 : i32
    %multiple_of3A = tpu.assume_multiple %mul3A_2, 8 : i32
    %mul3A_3 = arith.constant 10240 : i32
    %mul3A_4 = arith.muli %add3A, %mul3A_3 : i32
    %multiple_of3A_5 = tpu.assume_multiple %mul3A_4, 8 : i32
    %eq3A = arith.constant 0 : i32
    %eq3A_6 = arith.cmpi eq, %arg1, %eq3A : i32
    %convert_element_type3A = arith.extui %eq3A_6 : i1 to i32
    %cond3A = arith.constant 0 : i32
    %cond3A_7 = arith.cmpi ne, %convert_element_type3A, %cond3A : i32
    scf.if %cond3A_7 {
      "tpu.region"() ({
        %run_scoped3A = tpu.sem_alloc : memref<!tpu.dma_semaphore, #tpu.memory_space<semaphore_mem>>
        tpu.enqueue_dma source(%arg2 : memref<10000x128xf32, #tpu.memory_space<hbm>>) target(%arg5 : memref<10000x128xf32, #tpu.memory_space<vmem_shared>>) target_semaphore(%run_scoped3A : memref<!tpu.dma_semaphore, #tpu.memory_space<semaphore_mem>>)
        tpu.wait_dma2 semaphore(%run_scoped3A : memref<!tpu.dma_semaphore, #tpu.memory_space<semaphore_mem>>) src(%arg2 : memref<10000x128xf32, #tpu.memory_space<hbm>>) dst(%arg5 : memref<10000x128xf32, #tpu.memory_space<vmem_shared>>)
        tpu.yield
      }) : () -> ()
    } else {
    }
    "tpu.region"() ({
      %run_scoped3A = tpu.sem_alloc : memref<!tpu.dma_semaphore, #tpu.memory_space<semaphore_mem>>
      %dma_start3A_119 = tpu.memref_slice %arg3[%multiple_of3A] : memref<320000xi32, #tpu.memory_space<hbm>> -> memref<10000xi32, #tpu.memory_space<hbm>>
      %dma_start3A_120 = tpu.memref_slice %arg3[%multiple_of3A] : memref<320000xi32, #tpu.memory_space<hbm>> -> memref<10000xi32, #tpu.memory_space<hbm>>
      tpu.enqueue_dma source(%dma_start3A_120 : memref<10000xi32, #tpu.memory_space<hbm>>) target(%arg6 : memref<10000xi32, #tpu.memory_space<vmem>>) target_semaphore(%run_scoped3A : memref<!tpu.dma_semaphore, #tpu.memory_space<semaphore_mem>>)
      %dma_wait3A_121 = tpu.memref_slice %arg3[%multiple_of3A] : memref<320000xi32, #tpu.memory_space<hbm>> -> memref<10000xi32, #tpu.memory_space<hbm>>
      %dma_wait3A_122 = tpu.memref_slice %arg3[%multiple_of3A] : memref<320000xi32, #tpu.memory_space<hbm>> -> memref<10000xi32, #tpu.memory_space<hbm>>
      tpu.wait_dma2 semaphore(%run_scoped3A : memref<!tpu.dma_semaphore, #tpu.memory_space<semaphore_mem>>) src(%dma_wait3A_122 : memref<10000xi32, #tpu.memory_space<hbm>>) dst(%arg6 : memref<10000xi32, #tpu.memory_space<vmem>>)
      tpu.yield
    }) : () -> ()
    %barrier3A = arith.constant 0 : index
    tpu.barrier barrier_id(%barrier3A)
    %multiple_of3A_8 = arith.constant 0 : i32
    %multiple_of3A_9 = tpu.assume_multiple %multiple_of3A_8, 8 : i32
    %dma_start3A = arith.constant 0 : i32
    %dma_start3A_10 = arith.constant 0 : i32
    %dma_start3A_11 = arith.constant 0 : i32
    %dma_start3A_12 = arith.constant 0 : i32
    %dma_start3A_13 = tpu.memref_slice %arg7[%dma_start3A, %dma_start3A_11, %dma_start3A_12] : memref<5x40x128xf32, #tpu.memory_space<vmem>> -> memref<1x40x128xf32, #tpu.memory_space<vmem>>
    %dma_start3A_14 = tpu.memref_squeeze %dma_start3A_13 : memref<1x40x128xf32, #tpu.memory_space<vmem>> -> memref<40x128xf32, #tpu.memory_space<vmem>>
    %dma_start3A_15 = tpu.memref_slice %arg6[%multiple_of3A_9] : memref<10000xi32, #tpu.memory_space<vmem>> -> memref<40xi32, #tpu.memory_space<vmem>>
    %dma_start3A_16 = arith.constant 0 : i32
    %dma_start3A_17 = arith.constant 0 : i32
    %dma_start3A_18 = tpu.memref_slice %arg5[%dma_start3A_16, %dma_start3A_17] : memref<10000x128xf32, #tpu.memory_space<vmem_shared>> -> memref<10000x128xf32, #tpu.memory_space<vmem_shared>>
    %dma_start3A_19 = tpu.memref_slice %arg8[%dma_start3A_10] : memref<5x!tpu.dma_semaphore, #tpu.memory_space<semaphore_mem>> -> memref<1x!tpu.dma_semaphore, #tpu.memory_space<semaphore_mem>>
    %dma_start3A_20 = tpu.memref_squeeze %dma_start3A_19 : memref<1x!tpu.dma_semaphore, #tpu.memory_space<semaphore_mem>> -> memref<!tpu.dma_semaphore, #tpu.memory_space<semaphore_mem>>
    tpu.enqueue_indirect_dma source(%dma_start3A_18 : memref<10000x128xf32, #tpu.memory_space<vmem_shared>>) target(%dma_start3A_14 : memref<40x128xf32, #tpu.memory_space<vmem>>) offsets(%dma_start3A_15 : memref<40xi32, #tpu.memory_space<vmem>>) semaphore(%dma_start3A_20 : memref<!tpu.dma_semaphore, #tpu.memory_space<semaphore_mem>>)
    %multiple_of3A_21 = arith.constant 40 : i32
    %multiple_of3A_22 = tpu.assume_multiple %multiple_of3A_21, 8 : i32
    %dma_start3A_23 = arith.constant 1 : i32
    %dma_start3A_24 = arith.constant 1 : i32
    %dma_start3A_25 = arith.constant 0 : i32
    %dma_start3A_26 = arith.constant 0 : i32
    %dma_start3A_27 = tpu.memref_slice %arg7[%dma_start3A_23, %dma_start3A_25, %dma_start3A_26] : memref<5x40x128xf32, #tpu.memory_space<vmem>> -> memref<1x40x128xf32, #tpu.memory_space<vmem>>
    %dma_start3A_28 = tpu.memref_squeeze %dma_start3A_27 : memref<1x40x128xf32, #tpu.memory_space<vmem>> -> memref<40x128xf32, #tpu.memory_space<vmem>>
    %dma_start3A_29 = tpu.memref_slice %arg6[%multiple_of3A_22] : memref<10000xi32, #tpu.memory_space<vmem>> -> memref<40xi32, #tpu.memory_space<vmem>>
    %dma_start3A_30 = arith.constant 0 : i32
    %dma_start3A_31 = arith.constant 0 : i32
    %dma_start3A_32 = tpu.memref_slice %arg5[%dma_start3A_30, %dma_start3A_31] : memref<10000x128xf32, #tpu.memory_space<vmem_shared>> -> memref<10000x128xf32, #tpu.memory_space<vmem_shared>>
    %dma_start3A_33 = tpu.memref_slice %arg8[%dma_start3A_24] : memref<5x!tpu.dma_semaphore, #tpu.memory_space<semaphore_mem>> -> memref<1x!tpu.dma_semaphore, #tpu.memory_space<semaphore_mem>>
    %dma_start3A_34 = tpu.memref_squeeze %dma_start3A_33 : memref<1x!tpu.dma_semaphore, #tpu.memory_space<semaphore_mem>> -> memref<!tpu.dma_semaphore, #tpu.memory_space<semaphore_mem>>
    tpu.enqueue_indirect_dma source(%dma_start3A_32 : memref<10000x128xf32, #tpu.memory_space<vmem_shared>>) target(%dma_start3A_28 : memref<40x128xf32, #tpu.memory_space<vmem>>) offsets(%dma_start3A_29 : memref<40xi32, #tpu.memory_space<vmem>>) semaphore(%dma_start3A_34 : memref<!tpu.dma_semaphore, #tpu.memory_space<semaphore_mem>>)
    %scan3A = arith.constant 0 : i32
    %scan3A_35 = arith.constant 0 : i32
    %scan3A_36 = arith.constant 50 : i32
    %scan3A_37 = arith.addi %scan3A_35, %scan3A_36 : i32
    %scan3A_38 = arith.constant 1 : i32
    scf.for %scan3A_119 = %scan3A_35 to %scan3A_37 step %scan3A_38  : i32 {
      %mul3A_120 = arith.constant 5 : i32
      %mul3A_121 = arith.muli %scan3A_119, %mul3A_120 : i32
      %add3A_122 = arith.constant 0 : i32
      %add3A_123 = arith.addi %mul3A_121, %add3A_122 : i32
      %add3A_124 = arith.constant 2 : i32
      %add3A_125 = arith.addi %add3A_123, %add3A_124 : i32
      %ge3A = arith.constant 5 : i32
      %ge3A_126 = arith.cmpi sge, %add3A_125, %ge3A : i32
      %lt3A = arith.constant 250 : i32
      %lt3A_127 = arith.cmpi slt, %add3A_125, %lt3A : i32
      %and3A = arith.andi %ge3A_126, %lt3A_127 : i1
      %convert_element_type3A_128 = arith.extui %and3A : i1 to i32
      %cond3A_129 = arith.constant 0 : i32
      %cond3A_130 = arith.cmpi ne, %convert_element_type3A_128, %cond3A_129 : i32
      scf.if %cond3A_130 {
        %dma_wait3A_392 = arith.constant 2 : i32
        %dma_wait3A_393 = arith.constant 2 : i32
        %dma_wait3A_394 = arith.constant 0 : i32
        %dma_wait3A_395 = arith.constant 0 : i32
        %dma_wait3A_396 = tpu.memref_slice %arg7[%dma_wait3A_392, %dma_wait3A_394, %dma_wait3A_395] : memref<5x40x128xf32, #tpu.memory_space<vmem>> -> memref<1x40x128xf32, #tpu.memory_space<vmem>>
        %dma_wait3A_397 = tpu.memref_squeeze %dma_wait3A_396 : memref<1x40x128xf32, #tpu.memory_space<vmem>> -> memref<40x128xf32, #tpu.memory_space<vmem>>
        %dma_wait3A_398 = arith.constant 0 : i32
        %dma_wait3A_399 = tpu.memref_slice %arg4[%multiple_of3A_5, %dma_wait3A_398] : memref<327680x128xf32, #tpu.memory_space<hbm>> -> memref<40x128xf32, #tpu.memory_space<hbm>>
        %dma_wait3A_400 = tpu.memref_slice %arg9[%dma_wait3A_393] : memref<5x!tpu.dma_semaphore, #tpu.memory_space<semaphore_mem>> -> memref<1x!tpu.dma_semaphore, #tpu.memory_space<semaphore_mem>>
        %dma_wait3A_401 = tpu.memref_squeeze %dma_wait3A_400 : memref<1x!tpu.dma_semaphore, #tpu.memory_space<semaphore_mem>> -> memref<!tpu.dma_semaphore, #tpu.memory_space<semaphore_mem>>
        %dma_wait3A_402 = arith.constant 0 : i32
        %dma_wait3A_403 = tpu.memref_slice %arg4[%multiple_of3A_5, %dma_wait3A_402] : memref<327680x128xf32, #tpu.memory_space<hbm>> -> memref<40x128xf32, #tpu.memory_space<hbm>>
        %dma_wait3A_404 = arith.constant 0 : i32
        %dma_wait3A_405 = arith.constant 0 : i32
        %dma_wait3A_406 = tpu.memref_slice %arg7[%dma_wait3A_392, %dma_wait3A_404, %dma_wait3A_405] : memref<5x40x128xf32, #tpu.memory_space<vmem>> -> memref<1x40x128xf32, #tpu.memory_space<vmem>>
        %dma_wait3A_407 = tpu.memref_squeeze %dma_wait3A_406 : memref<1x40x128xf32, #tpu.memory_space<vmem>> -> memref<40x128xf32, #tpu.memory_space<vmem>>
        tpu.wait_dma2 semaphore(%dma_wait3A_401 : memref<!tpu.dma_semaphore, #tpu.memory_space<semaphore_mem>>) src(%dma_wait3A_407 : memref<40x128xf32, #tpu.memory_space<vmem>>) dst(%dma_wait3A_403 : memref<40x128xf32, #tpu.memory_space<hbm>>)
        %mul3A_408 = arith.constant 40 : i32
        %mul3A_409 = arith.muli %add3A_125, %mul3A_408 : i32
        %multiple_of3A_410 = tpu.assume_multiple %mul3A_409, 8 : i32
        %dma_start3A_411 = arith.constant 2 : i32
        %dma_start3A_412 = arith.constant 2 : i32
        %dma_start3A_413 = arith.constant 0 : i32
        %dma_start3A_414 = arith.constant 0 : i32
        %dma_start3A_415 = tpu.memref_slice %arg7[%dma_start3A_411, %dma_start3A_413, %dma_start3A_414] : memref<5x40x128xf32, #tpu.memory_space<vmem>> -> memref<1x40x128xf32, #tpu.memory_space<vmem>>
        %dma_start3A_416 = tpu.memref_squeeze %dma_start3A_415 : memref<1x40x128xf32, #tpu.memory_space<vmem>> -> memref<40x128xf32, #tpu.memory_space<vmem>>
        %dma_start3A_417 = tpu.memref_slice %arg6[%multiple_of3A_410] : memref<10000xi32, #tpu.memory_space<vmem>> -> memref<40xi32, #tpu.memory_space<vmem>>
        %dma_start3A_418 = arith.constant 0 : i32
        %dma_start3A_419 = arith.constant 0 : i32
        %dma_start3A_420 = tpu.memref_slice %arg5[%dma_start3A_418, %dma_start3A_419] : memref<10000x128xf32, #tpu.memory_space<vmem_shared>> -> memref<10000x128xf32, #tpu.memory_space<vmem_shared>>
        %dma_start3A_421 = tpu.memref_slice %arg8[%dma_start3A_412] : memref<5x!tpu.dma_semaphore, #tpu.memory_space<semaphore_mem>> -> memref<1x!tpu.dma_semaphore, #tpu.memory_space<semaphore_mem>>
        %dma_start3A_422 = tpu.memref_squeeze %dma_start3A_421 : memref<1x!tpu.dma_semaphore, #tpu.memory_space<semaphore_mem>> -> memref<!tpu.dma_semaphore, #tpu.memory_space<semaphore_mem>>
        tpu.enqueue_indirect_dma source(%dma_start3A_420 : memref<10000x128xf32, #tpu.memory_space<vmem_shared>>) target(%dma_start3A_416 : memref<40x128xf32, #tpu.memory_space<vmem>>) offsets(%dma_start3A_417 : memref<40xi32, #tpu.memory_space<vmem>>) semaphore(%dma_start3A_422 : memref<!tpu.dma_semaphore, #tpu.memory_space<semaphore_mem>>)
      } else {
      }
      %ge3A_131 = arith.constant 2 : i32
      %ge3A_132 = arith.cmpi sge, %add3A_125, %ge3A_131 : i32
      %lt3A_133 = arith.constant 5 : i32
      %lt3A_134 = arith.cmpi slt, %add3A_125, %lt3A_133 : i32
      %and3A_135 = arith.andi %ge3A_132, %lt3A_134 : i1
      %convert_element_type3A_136 = arith.extui %and3A_135 : i1 to i32
      %cond3A_137 = arith.constant 0 : i32
      %cond3A_138 = arith.cmpi ne, %convert_element_type3A_136, %cond3A_137 : i32
      scf.if %cond3A_138 {
        %mul3A_392 = arith.constant 40 : i32
        %mul3A_393 = arith.muli %add3A_125, %mul3A_392 : i32
        %multiple_of3A_394 = tpu.assume_multiple %mul3A_393, 8 : i32
        %dma_start3A_395 = arith.constant 2 : i32
        %dma_start3A_396 = arith.constant 2 : i32
        %dma_start3A_397 = arith.constant 0 : i32
        %dma_start3A_398 = arith.constant 0 : i32
        %dma_start3A_399 = tpu.memref_slice %arg7[%dma_start3A_395, %dma_start3A_397, %dma_start3A_398] : memref<5x40x128xf32, #tpu.memory_space<vmem>> -> memref<1x40x128xf32, #tpu.memory_space<vmem>>
        %dma_start3A_400 = tpu.memref_squeeze %dma_start3A_399 : memref<1x40x128xf32, #tpu.memory_space<vmem>> -> memref<40x128xf32, #tpu.memory_space<vmem>>
        %dma_start3A_401 = tpu.memref_slice %arg6[%multiple_of3A_394] : memref<10000xi32, #tpu.memory_space<vmem>> -> memref<40xi32, #tpu.memory_space<vmem>>
        %dma_start3A_402 = arith.constant 0 : i32
        %dma_start3A_403 = arith.constant 0 : i32
        %dma_start3A_404 = tpu.memref_slice %arg5[%dma_start3A_402, %dma_start3A_403] : memref<10000x128xf32, #tpu.memory_space<vmem_shared>> -> memref<10000x128xf32, #tpu.memory_space<vmem_shared>>
        %dma_start3A_405 = tpu.memref_slice %arg8[%dma_start3A_396] : memref<5x!tpu.dma_semaphore, #tpu.memory_space<semaphore_mem>> -> memref<1x!tpu.dma_semaphore, #tpu.memory_space<semaphore_mem>>
        %dma_start3A_406 = tpu.memref_squeeze %dma_start3A_405 : memref<1x!tpu.dma_semaphore, #tpu.memory_space<semaphore_mem>> -> memref<!tpu.dma_semaphore, #tpu.memory_space<semaphore_mem>>
        tpu.enqueue_indirect_dma source(%dma_start3A_404 : memref<10000x128xf32, #tpu.memory_space<vmem_shared>>) target(%dma_start3A_400 : memref<40x128xf32, #tpu.memory_space<vmem>>) offsets(%dma_start3A_401 : memref<40xi32, #tpu.memory_space<vmem>>) semaphore(%dma_start3A_406 : memref<!tpu.dma_semaphore, #tpu.memory_space<semaphore_mem>>)
      } else {
      }
      %dma_wait3A_139 = arith.constant 0 : i32
      %dma_wait3A_140 = arith.constant 0 : i32
      %dma_wait3A_141 = arith.constant 0 : i32
      %dma_wait3A_142 = arith.constant 0 : i32
      %dma_wait3A_143 = tpu.memref_slice %arg7[%dma_wait3A_139, %dma_wait3A_141, %dma_wait3A_142] : memref<5x40x128xf32, #tpu.memory_space<vmem>> -> memref<1x40x128xf32, #tpu.memory_space<vmem>>
      %dma_wait3A_144 = tpu.memref_squeeze %dma_wait3A_143 : memref<1x40x128xf32, #tpu.memory_space<vmem>> -> memref<40x128xf32, #tpu.memory_space<vmem>>
      %dma_wait3A_145 = arith.constant 0 : i32
      %dma_wait3A_146 = tpu.memref_slice %arg6[%dma_wait3A_145] : memref<10000xi32, #tpu.memory_space<vmem>> -> memref<40xi32, #tpu.memory_space<vmem>>
      %dma_wait3A_147 = arith.constant 0 : i32
      %dma_wait3A_148 = arith.constant 0 : i32
      %dma_wait3A_149 = tpu.memref_slice %arg5[%dma_wait3A_147, %dma_wait3A_148] : memref<10000x128xf32, #tpu.memory_space<vmem_shared>> -> memref<10000x128xf32, #tpu.memory_space<vmem_shared>>
      %dma_wait3A_150 = tpu.memref_slice %arg8[%dma_wait3A_140] : memref<5x!tpu.dma_semaphore, #tpu.memory_space<semaphore_mem>> -> memref<1x!tpu.dma_semaphore, #tpu.memory_space<semaphore_mem>>
      %dma_wait3A_151 = tpu.memref_squeeze %dma_wait3A_150 : memref<1x!tpu.dma_semaphore, #tpu.memory_space<semaphore_mem>> -> memref<!tpu.dma_semaphore, #tpu.memory_space<semaphore_mem>>
      tpu.wait_indirect_dma semaphore(%dma_wait3A_151 : memref<!tpu.dma_semaphore, #tpu.memory_space<semaphore_mem>>) src(%dma_wait3A_149 : memref<10000x128xf32, #tpu.memory_space<vmem_shared>>) dst(%dma_wait3A_144 : memref<40x128xf32, #tpu.memory_space<vmem>>)
      %mul3A_152 = arith.constant 40 : i32
      %mul3A_153 = arith.muli %add3A_123, %mul3A_152 : i32
      %add3A_154 = arith.addi %multiple_of3A_5, %mul3A_153 : i32
      %multiple_of3A_155 = tpu.assume_multiple %add3A_154, 8 : i32
      %dma_start3A_156 = arith.constant 0 : i32
      %dma_start3A_157 = arith.constant 0 : i32
      %dma_start3A_158 = arith.constant 0 : i32
      %dma_start3A_159 = arith.constant 0 : i32
      %dma_start3A_160 = tpu.memref_slice %arg7[%dma_start3A_156, %dma_start3A_158, %dma_start3A_159] : memref<5x40x128xf32, #tpu.memory_space<vmem>> -> memref<1x40x128xf32, #tpu.memory_space<vmem>>
      %dma_start3A_161 = tpu.memref_squeeze %dma_start3A_160 : memref<1x40x128xf32, #tpu.memory_space<vmem>> -> memref<40x128xf32, #tpu.memory_space<vmem>>
      %dma_start3A_162 = arith.constant 0 : i32
      %dma_start3A_163 = tpu.memref_slice %arg4[%multiple_of3A_155, %dma_start3A_162] : memref<327680x128xf32, #tpu.memory_space<hbm>> -> memref<40x128xf32, #tpu.memory_space<hbm>>
      %dma_start3A_164 = tpu.memref_slice %arg9[%dma_start3A_157] : memref<5x!tpu.dma_semaphore, #tpu.memory_space<semaphore_mem>> -> memref<1x!tpu.dma_semaphore, #tpu.memory_space<semaphore_mem>>
      %dma_start3A_165 = tpu.memref_squeeze %dma_start3A_164 : memref<1x!tpu.dma_semaphore, #tpu.memory_space<semaphore_mem>> -> memref<!tpu.dma_semaphore, #tpu.memory_space<semaphore_mem>>
      %dma_start3A_166 = arith.constant 0 : i32
      %dma_start3A_167 = tpu.memref_slice %arg4[%multiple_of3A_155, %dma_start3A_166] : memref<327680x128xf32, #tpu.memory_space<hbm>> -> memref<40x128xf32, #tpu.memory_space<hbm>>
      %dma_start3A_168 = arith.constant 0 : i32
      %dma_start3A_169 = arith.constant 0 : i32
      %dma_start3A_170 = tpu.memref_slice %arg7[%dma_start3A_156, %dma_start3A_168, %dma_start3A_169] : memref<5x40x128xf32, #tpu.memory_space<vmem>> -> memref<1x40x128xf32, #tpu.memory_space<vmem>>
      %dma_start3A_171 = tpu.memref_squeeze %dma_start3A_170 : memref<1x40x128xf32, #tpu.memory_space<vmem>> -> memref<40x128xf32, #tpu.memory_space<vmem>>
      tpu.enqueue_dma source(%dma_start3A_171 : memref<40x128xf32, #tpu.memory_space<vmem>>) target(%dma_start3A_167 : memref<40x128xf32, #tpu.memory_space<hbm>>) target_semaphore(%dma_start3A_165 : memref<!tpu.dma_semaphore, #tpu.memory_space<semaphore_mem>>)
      %mul3A_172 = arith.constant 5 : i32
      %mul3A_173 = arith.muli %scan3A_119, %mul3A_172 : i32
      %add3A_174 = arith.constant 1 : i32
      %add3A_175 = arith.addi %mul3A_173, %add3A_174 : i32
      %add3A_176 = arith.constant 2 : i32
      %add3A_177 = arith.addi %add3A_175, %add3A_176 : i32
      %ge3A_178 = arith.constant 5 : i32
      %ge3A_179 = arith.cmpi sge, %add3A_177, %ge3A_178 : i32
      %lt3A_180 = arith.constant 250 : i32
      %lt3A_181 = arith.cmpi slt, %add3A_177, %lt3A_180 : i32
      %and3A_182 = arith.andi %ge3A_179, %lt3A_181 : i1
      %convert_element_type3A_183 = arith.extui %and3A_182 : i1 to i32
      %cond3A_184 = arith.constant 0 : i32
      %cond3A_185 = arith.cmpi ne, %convert_element_type3A_183, %cond3A_184 : i32
      scf.if %cond3A_185 {
        %dma_wait3A_392 = arith.constant 3 : i32
        %dma_wait3A_393 = arith.constant 3 : i32
        %dma_wait3A_394 = arith.constant 0 : i32
        %dma_wait3A_395 = arith.constant 0 : i32
        %dma_wait3A_396 = tpu.memref_slice %arg7[%dma_wait3A_392, %dma_wait3A_394, %dma_wait3A_395] : memref<5x40x128xf32, #tpu.memory_space<vmem>> -> memref<1x40x128xf32, #tpu.memory_space<vmem>>
        %dma_wait3A_397 = tpu.memref_squeeze %dma_wait3A_396 : memref<1x40x128xf32, #tpu.memory_space<vmem>> -> memref<40x128xf32, #tpu.memory_space<vmem>>
        %dma_wait3A_398 = arith.constant 0 : i32
        %dma_wait3A_399 = tpu.memref_slice %arg4[%multiple_of3A_5, %dma_wait3A_398] : memref<327680x128xf32, #tpu.memory_space<hbm>> -> memref<40x128xf32, #tpu.memory_space<hbm>>
        %dma_wait3A_400 = tpu.memref_slice %arg9[%dma_wait3A_393] : memref<5x!tpu.dma_semaphore, #tpu.memory_space<semaphore_mem>> -> memref<1x!tpu.dma_semaphore, #tpu.memory_space<semaphore_mem>>
        %dma_wait3A_401 = tpu.memref_squeeze %dma_wait3A_400 : memref<1x!tpu.dma_semaphore, #tpu.memory_space<semaphore_mem>> -> memref<!tpu.dma_semaphore, #tpu.memory_space<semaphore_mem>>
        %dma_wait3A_402 = arith.constant 0 : i32
        %dma_wait3A_403 = tpu.memref_slice %arg4[%multiple_of3A_5, %dma_wait3A_402] : memref<327680x128xf32, #tpu.memory_space<hbm>> -> memref<40x128xf32, #tpu.memory_space<hbm>>
        %dma_wait3A_404 = arith.constant 0 : i32
        %dma_wait3A_405 = arith.constant 0 : i32
        %dma_wait3A_406 = tpu.memref_slice %arg7[%dma_wait3A_392, %dma_wait3A_404, %dma_wait3A_405] : memref<5x40x128xf32, #tpu.memory_space<vmem>> -> memref<1x40x128xf32, #tpu.memory_space<vmem>>
        %dma_wait3A_407 = tpu.memref_squeeze %dma_wait3A_406 : memref<1x40x128xf32, #tpu.memory_space<vmem>> -> memref<40x128xf32, #tpu.memory_space<vmem>>
        tpu.wait_dma2 semaphore(%dma_wait3A_401 : memref<!tpu.dma_semaphore, #tpu.memory_space<semaphore_mem>>) src(%dma_wait3A_407 : memref<40x128xf32, #tpu.memory_space<vmem>>) dst(%dma_wait3A_403 : memref<40x128xf32, #tpu.memory_space<hbm>>)
        %mul3A_408 = arith.constant 40 : i32
        %mul3A_409 = arith.muli %add3A_177, %mul3A_408 : i32
        %multiple_of3A_410 = tpu.assume_multiple %mul3A_409, 8 : i32
        %dma_start3A_411 = arith.constant 3 : i32
        %dma_start3A_412 = arith.constant 3 : i32
        %dma_start3A_413 = arith.constant 0 : i32
        %dma_start3A_414 = arith.constant 0 : i32
        %dma_start3A_415 = tpu.memref_slice %arg7[%dma_start3A_411, %dma_start3A_413, %dma_start3A_414] : memref<5x40x128xf32, #tpu.memory_space<vmem>> -> memref<1x40x128xf32, #tpu.memory_space<vmem>>
        %dma_start3A_416 = tpu.memref_squeeze %dma_start3A_415 : memref<1x40x128xf32, #tpu.memory_space<vmem>> -> memref<40x128xf32, #tpu.memory_space<vmem>>
        %dma_start3A_417 = tpu.memref_slice %arg6[%multiple_of3A_410] : memref<10000xi32, #tpu.memory_space<vmem>> -> memref<40xi32, #tpu.memory_space<vmem>>
        %dma_start3A_418 = arith.constant 0 : i32
        %dma_start3A_419 = arith.constant 0 : i32
        %dma_start3A_420 = tpu.memref_slice %arg5[%dma_start3A_418, %dma_start3A_419] : memref<10000x128xf32, #tpu.memory_space<vmem_shared>> -> memref<10000x128xf32, #tpu.memory_space<vmem_shared>>
        %dma_start3A_421 = tpu.memref_slice %arg8[%dma_start3A_412] : memref<5x!tpu.dma_semaphore, #tpu.memory_space<semaphore_mem>> -> memref<1x!tpu.dma_semaphore, #tpu.memory_space<semaphore_mem>>
        %dma_start3A_422 = tpu.memref_squeeze %dma_start3A_421 : memref<1x!tpu.dma_semaphore, #tpu.memory_space<semaphore_mem>> -> memref<!tpu.dma_semaphore, #tpu.memory_space<semaphore_mem>>
        tpu.enqueue_indirect_dma source(%dma_start3A_420 : memref<10000x128xf32, #tpu.memory_space<vmem_shared>>) target(%dma_start3A_416 : memref<40x128xf32, #tpu.memory_space<vmem>>) offsets(%dma_start3A_417 : memref<40xi32, #tpu.memory_space<vmem>>) semaphore(%dma_start3A_422 : memref<!tpu.dma_semaphore, #tpu.memory_space<semaphore_mem>>)
      } else {
      }
      %ge3A_186 = arith.constant 2 : i32
      %ge3A_187 = arith.cmpi sge, %add3A_177, %ge3A_186 : i32
      %lt3A_188 = arith.constant 5 : i32
      %lt3A_189 = arith.cmpi slt, %add3A_177, %lt3A_188 : i32
      %and3A_190 = arith.andi %ge3A_187, %lt3A_189 : i1
      %convert_element_type3A_191 = arith.extui %and3A_190 : i1 to i32
      %cond3A_192 = arith.constant 0 : i32
      %cond3A_193 = arith.cmpi ne, %convert_element_type3A_191, %cond3A_192 : i32
      scf.if %cond3A_193 {
        %mul3A_392 = arith.constant 40 : i32
        %mul3A_393 = arith.muli %add3A_177, %mul3A_392 : i32
        %multiple_of3A_394 = tpu.assume_multiple %mul3A_393, 8 : i32
        %dma_start3A_395 = arith.constant 3 : i32
        %dma_start3A_396 = arith.constant 3 : i32
        %dma_start3A_397 = arith.constant 0 : i32
        %dma_start3A_398 = arith.constant 0 : i32
        %dma_start3A_399 = tpu.memref_slice %arg7[%dma_start3A_395, %dma_start3A_397, %dma_start3A_398] : memref<5x40x128xf32, #tpu.memory_space<vmem>> -> memref<1x40x128xf32, #tpu.memory_space<vmem>>
        %dma_start3A_400 = tpu.memref_squeeze %dma_start3A_399 : memref<1x40x128xf32, #tpu.memory_space<vmem>> -> memref<40x128xf32, #tpu.memory_space<vmem>>
        %dma_start3A_401 = tpu.memref_slice %arg6[%multiple_of3A_394] : memref<10000xi32, #tpu.memory_space<vmem>> -> memref<40xi32, #tpu.memory_space<vmem>>
        %dma_start3A_402 = arith.constant 0 : i32
        %dma_start3A_403 = arith.constant 0 : i32
        %dma_start3A_404 = tpu.memref_slice %arg5[%dma_start3A_402, %dma_start3A_403] : memref<10000x128xf32, #tpu.memory_space<vmem_shared>> -> memref<10000x128xf32, #tpu.memory_space<vmem_shared>>
        %dma_start3A_405 = tpu.memref_slice %arg8[%dma_start3A_396] : memref<5x!tpu.dma_semaphore, #tpu.memory_space<semaphore_mem>> -> memref<1x!tpu.dma_semaphore, #tpu.memory_space<semaphore_mem>>
        %dma_start3A_406 = tpu.memref_squeeze %dma_start3A_405 : memref<1x!tpu.dma_semaphore, #tpu.memory_space<semaphore_mem>> -> memref<!tpu.dma_semaphore, #tpu.memory_space<semaphore_mem>>
        tpu.enqueue_indirect_dma source(%dma_start3A_404 : memref<10000x128xf32, #tpu.memory_space<vmem_shared>>) target(%dma_start3A_400 : memref<40x128xf32, #tpu.memory_space<vmem>>) offsets(%dma_start3A_401 : memref<40xi32, #tpu.memory_space<vmem>>) semaphore(%dma_start3A_406 : memref<!tpu.dma_semaphore, #tpu.memory_space<semaphore_mem>>)
      } else {
      }
      %dma_wait3A_194 = arith.constant 1 : i32
      %dma_wait3A_195 = arith.constant 1 : i32
      %dma_wait3A_196 = arith.constant 0 : i32
      %dma_wait3A_197 = arith.constant 0 : i32
      %dma_wait3A_198 = tpu.memref_slice %arg7[%dma_wait3A_194, %dma_wait3A_196, %dma_wait3A_197] : memref<5x40x128xf32, #tpu.memory_space<vmem>> -> memref<1x40x128xf32, #tpu.memory_space<vmem>>
      %dma_wait3A_199 = tpu.memref_squeeze %dma_wait3A_198 : memref<1x40x128xf32, #tpu.memory_space<vmem>> -> memref<40x128xf32, #tpu.memory_space<vmem>>
      %dma_wait3A_200 = arith.constant 0 : i32
      %dma_wait3A_201 = tpu.memref_slice %arg6[%dma_wait3A_200] : memref<10000xi32, #tpu.memory_space<vmem>> -> memref<40xi32, #tpu.memory_space<vmem>>
      %dma_wait3A_202 = arith.constant 0 : i32
      %dma_wait3A_203 = arith.constant 0 : i32
      %dma_wait3A_204 = tpu.memref_slice %arg5[%dma_wait3A_202, %dma_wait3A_203] : memref<10000x128xf32, #tpu.memory_space<vmem_shared>> -> memref<10000x128xf32, #tpu.memory_space<vmem_shared>>
      %dma_wait3A_205 = tpu.memref_slice %arg8[%dma_wait3A_195] : memref<5x!tpu.dma_semaphore, #tpu.memory_space<semaphore_mem>> -> memref<1x!tpu.dma_semaphore, #tpu.memory_space<semaphore_mem>>
      %dma_wait3A_206 = tpu.memref_squeeze %dma_wait3A_205 : memref<1x!tpu.dma_semaphore, #tpu.memory_space<semaphore_mem>> -> memref<!tpu.dma_semaphore, #tpu.memory_space<semaphore_mem>>
      tpu.wait_indirect_dma semaphore(%dma_wait3A_206 : memref<!tpu.dma_semaphore, #tpu.memory_space<semaphore_mem>>) src(%dma_wait3A_204 : memref<10000x128xf32, #tpu.memory_space<vmem_shared>>) dst(%dma_wait3A_199 : memref<40x128xf32, #tpu.memory_space<vmem>>)
      %mul3A_207 = arith.constant 40 : i32
      %mul3A_208 = arith.muli %add3A_175, %mul3A_207 : i32
      %add3A_209 = arith.addi %multiple_of3A_5, %mul3A_208 : i32
      %multiple_of3A_210 = tpu.assume_multiple %add3A_209, 8 : i32
      %dma_start3A_211 = arith.constant 1 : i32
      %dma_start3A_212 = arith.constant 1 : i32
      %dma_start3A_213 = arith.constant 0 : i32
      %dma_start3A_214 = arith.constant 0 : i32
      %dma_start3A_215 = tpu.memref_slice %arg7[%dma_start3A_211, %dma_start3A_213, %dma_start3A_214] : memref<5x40x128xf32, #tpu.memory_space<vmem>> -> memref<1x40x128xf32, #tpu.memory_space<vmem>>
      %dma_start3A_216 = tpu.memref_squeeze %dma_start3A_215 : memref<1x40x128xf32, #tpu.memory_space<vmem>> -> memref<40x128xf32, #tpu.memory_space<vmem>>
      %dma_start3A_217 = arith.constant 0 : i32
      %dma_start3A_218 = tpu.memref_slice %arg4[%multiple_of3A_210, %dma_start3A_217] : memref<327680x128xf32, #tpu.memory_space<hbm>> -> memref<40x128xf32, #tpu.memory_space<hbm>>
      %dma_start3A_219 = tpu.memref_slice %arg9[%dma_start3A_212] : memref<5x!tpu.dma_semaphore, #tpu.memory_space<semaphore_mem>> -> memref<1x!tpu.dma_semaphore, #tpu.memory_space<semaphore_mem>>
      %dma_start3A_220 = tpu.memref_squeeze %dma_start3A_219 : memref<1x!tpu.dma_semaphore, #tpu.memory_space<semaphore_mem>> -> memref<!tpu.dma_semaphore, #tpu.memory_space<semaphore_mem>>
      %dma_start3A_221 = arith.constant 0 : i32
      %dma_start3A_222 = tpu.memref_slice %arg4[%multiple_of3A_210, %dma_start3A_221] : memref<327680x128xf32, #tpu.memory_space<hbm>> -> memref<40x128xf32, #tpu.memory_space<hbm>>
      %dma_start3A_223 = arith.constant 0 : i32
      %dma_start3A_224 = arith.constant 0 : i32
      %dma_start3A_225 = tpu.memref_slice %arg7[%dma_start3A_211, %dma_start3A_223, %dma_start3A_224] : memref<5x40x128xf32, #tpu.memory_space<vmem>> -> memref<1x40x128xf32, #tpu.memory_space<vmem>>
      %dma_start3A_226 = tpu.memref_squeeze %dma_start3A_225 : memref<1x40x128xf32, #tpu.memory_space<vmem>> -> memref<40x128xf32, #tpu.memory_space<vmem>>
      tpu.enqueue_dma source(%dma_start3A_226 : memref<40x128xf32, #tpu.memory_space<vmem>>) target(%dma_start3A_222 : memref<40x128xf32, #tpu.memory_space<hbm>>) target_semaphore(%dma_start3A_220 : memref<!tpu.dma_semaphore, #tpu.memory_space<semaphore_mem>>)
      %mul3A_227 = arith.constant 5 : i32
      %mul3A_228 = arith.muli %scan3A_119, %mul3A_227 : i32
      %add3A_229 = arith.constant 2 : i32
      %add3A_230 = arith.addi %mul3A_228, %add3A_229 : i32
      %add3A_231 = arith.constant 2 : i32
      %add3A_232 = arith.addi %add3A_230, %add3A_231 : i32
      %ge3A_233 = arith.constant 5 : i32
      %ge3A_234 = arith.cmpi sge, %add3A_232, %ge3A_233 : i32
      %lt3A_235 = arith.constant 250 : i32
      %lt3A_236 = arith.cmpi slt, %add3A_232, %lt3A_235 : i32
      %and3A_237 = arith.andi %ge3A_234, %lt3A_236 : i1
      %convert_element_type3A_238 = arith.extui %and3A_237 : i1 to i32
      %cond3A_239 = arith.constant 0 : i32
      %cond3A_240 = arith.cmpi ne, %convert_element_type3A_238, %cond3A_239 : i32
      scf.if %cond3A_240 {
        %dma_wait3A_392 = arith.constant 4 : i32
        %dma_wait3A_393 = arith.constant 4 : i32
        %dma_wait3A_394 = arith.constant 0 : i32
        %dma_wait3A_395 = arith.constant 0 : i32
        %dma_wait3A_396 = tpu.memref_slice %arg7[%dma_wait3A_392, %dma_wait3A_394, %dma_wait3A_395] : memref<5x40x128xf32, #tpu.memory_space<vmem>> -> memref<1x40x128xf32, #tpu.memory_space<vmem>>
        %dma_wait3A_397 = tpu.memref_squeeze %dma_wait3A_396 : memref<1x40x128xf32, #tpu.memory_space<vmem>> -> memref<40x128xf32, #tpu.memory_space<vmem>>
        %dma_wait3A_398 = arith.constant 0 : i32
        %dma_wait3A_399 = tpu.memref_slice %arg4[%multiple_of3A_5, %dma_wait3A_398] : memref<327680x128xf32, #tpu.memory_space<hbm>> -> memref<40x128xf32, #tpu.memory_space<hbm>>
        %dma_wait3A_400 = tpu.memref_slice %arg9[%dma_wait3A_393] : memref<5x!tpu.dma_semaphore, #tpu.memory_space<semaphore_mem>> -> memref<1x!tpu.dma_semaphore, #tpu.memory_space<semaphore_mem>>
        %dma_wait3A_401 = tpu.memref_squeeze %dma_wait3A_400 : memref<1x!tpu.dma_semaphore, #tpu.memory_space<semaphore_mem>> -> memref<!tpu.dma_semaphore, #tpu.memory_space<semaphore_mem>>
        %dma_wait3A_402 = arith.constant 0 : i32
        %dma_wait3A_403 = tpu.memref_slice %arg4[%multiple_of3A_5, %dma_wait3A_402] : memref<327680x128xf32, #tpu.memory_space<hbm>> -> memref<40x128xf32, #tpu.memory_space<hbm>>
        %dma_wait3A_404 = arith.constant 0 : i32
        %dma_wait3A_405 = arith.constant 0 : i32
        %dma_wait3A_406 = tpu.memref_slice %arg7[%dma_wait3A_392, %dma_wait3A_404, %dma_wait3A_405] : memref<5x40x128xf32, #tpu.memory_space<vmem>> -> memref<1x40x128xf32, #tpu.memory_space<vmem>>
        %dma_wait3A_407 = tpu.memref_squeeze %dma_wait3A_406 : memref<1x40x128xf32, #tpu.memory_space<vmem>> -> memref<40x128xf32, #tpu.memory_space<vmem>>
        tpu.wait_dma2 semaphore(%dma_wait3A_401 : memref<!tpu.dma_semaphore, #tpu.memory_space<semaphore_mem>>) src(%dma_wait3A_407 : memref<40x128xf32, #tpu.memory_space<vmem>>) dst(%dma_wait3A_403 : memref<40x128xf32, #tpu.memory_space<hbm>>)
        %mul3A_408 = arith.constant 40 : i32
        %mul3A_409 = arith.muli %add3A_232, %mul3A_408 : i32
        %multiple_of3A_410 = tpu.assume_multiple %mul3A_409, 8 : i32
        %dma_start3A_411 = arith.constant 4 : i32
        %dma_start3A_412 = arith.constant 4 : i32
        %dma_start3A_413 = arith.constant 0 : i32
        %dma_start3A_414 = arith.constant 0 : i32
        %dma_start3A_415 = tpu.memref_slice %arg7[%dma_start3A_411, %dma_start3A_413, %dma_start3A_414] : memref<5x40x128xf32, #tpu.memory_space<vmem>> -> memref<1x40x128xf32, #tpu.memory_space<vmem>>
        %dma_start3A_416 = tpu.memref_squeeze %dma_start3A_415 : memref<1x40x128xf32, #tpu.memory_space<vmem>> -> memref<40x128xf32, #tpu.memory_space<vmem>>
        %dma_start3A_417 = tpu.memref_slice %arg6[%multiple_of3A_410] : memref<10000xi32, #tpu.memory_space<vmem>> -> memref<40xi32, #tpu.memory_space<vmem>>
        %dma_start3A_418 = arith.constant 0 : i32
        %dma_start3A_419 = arith.constant 0 : i32
        %dma_start3A_420 = tpu.memref_slice %arg5[%dma_start3A_418, %dma_start3A_419] : memref<10000x128xf32, #tpu.memory_space<vmem_shared>> -> memref<10000x128xf32, #tpu.memory_space<vmem_shared>>
        %dma_start3A_421 = tpu.memref_slice %arg8[%dma_start3A_412] : memref<5x!tpu.dma_semaphore, #tpu.memory_space<semaphore_mem>> -> memref<1x!tpu.dma_semaphore, #tpu.memory_space<semaphore_mem>>
        %dma_start3A_422 = tpu.memref_squeeze %dma_start3A_421 : memref<1x!tpu.dma_semaphore, #tpu.memory_space<semaphore_mem>> -> memref<!tpu.dma_semaphore, #tpu.memory_space<semaphore_mem>>
        tpu.enqueue_indirect_dma source(%dma_start3A_420 : memref<10000x128xf32, #tpu.memory_space<vmem_shared>>) target(%dma_start3A_416 : memref<40x128xf32, #tpu.memory_space<vmem>>) offsets(%dma_start3A_417 : memref<40xi32, #tpu.memory_space<vmem>>) semaphore(%dma_start3A_422 : memref<!tpu.dma_semaphore, #tpu.memory_space<semaphore_mem>>)
      } else {
      }
      %ge3A_241 = arith.constant 2 : i32
      %ge3A_242 = arith.cmpi sge, %add3A_232, %ge3A_241 : i32
      %lt3A_243 = arith.constant 5 : i32
      %lt3A_244 = arith.cmpi slt, %add3A_232, %lt3A_243 : i32
      %and3A_245 = arith.andi %ge3A_242, %lt3A_244 : i1
      %convert_element_type3A_246 = arith.extui %and3A_245 : i1 to i32
      %cond3A_247 = arith.constant 0 : i32
      %cond3A_248 = arith.cmpi ne, %convert_element_type3A_246, %cond3A_247 : i32
      scf.if %cond3A_248 {
        %mul3A_392 = arith.constant 40 : i32
        %mul3A_393 = arith.muli %add3A_232, %mul3A_392 : i32
        %multiple_of3A_394 = tpu.assume_multiple %mul3A_393, 8 : i32
        %dma_start3A_395 = arith.constant 4 : i32
        %dma_start3A_396 = arith.constant 4 : i32
        %dma_start3A_397 = arith.constant 0 : i32
        %dma_start3A_398 = arith.constant 0 : i32
        %dma_start3A_399 = tpu.memref_slice %arg7[%dma_start3A_395, %dma_start3A_397, %dma_start3A_398] : memref<5x40x128xf32, #tpu.memory_space<vmem>> -> memref<1x40x128xf32, #tpu.memory_space<vmem>>
        %dma_start3A_400 = tpu.memref_squeeze %dma_start3A_399 : memref<1x40x128xf32, #tpu.memory_space<vmem>> -> memref<40x128xf32, #tpu.memory_space<vmem>>
        %dma_start3A_401 = tpu.memref_slice %arg6[%multiple_of3A_394] : memref<10000xi32, #tpu.memory_space<vmem>> -> memref<40xi32, #tpu.memory_space<vmem>>
        %dma_start3A_402 = arith.constant 0 : i32
        %dma_start3A_403 = arith.constant 0 : i32
        %dma_start3A_404 = tpu.memref_slice %arg5[%dma_start3A_402, %dma_start3A_403] : memref<10000x128xf32, #tpu.memory_space<vmem_shared>> -> memref<10000x128xf32, #tpu.memory_space<vmem_shared>>
        %dma_start3A_405 = tpu.memref_slice %arg8[%dma_start3A_396] : memref<5x!tpu.dma_semaphore, #tpu.memory_space<semaphore_mem>> -> memref<1x!tpu.dma_semaphore, #tpu.memory_space<semaphore_mem>>
        %dma_start3A_406 = tpu.memref_squeeze %dma_start3A_405 : memref<1x!tpu.dma_semaphore, #tpu.memory_space<semaphore_mem>> -> memref<!tpu.dma_semaphore, #tpu.memory_space<semaphore_mem>>
        tpu.enqueue_indirect_dma source(%dma_start3A_404 : memref<10000x128xf32, #tpu.memory_space<vmem_shared>>) target(%dma_start3A_400 : memref<40x128xf32, #tpu.memory_space<vmem>>) offsets(%dma_start3A_401 : memref<40xi32, #tpu.memory_space<vmem>>) semaphore(%dma_start3A_406 : memref<!tpu.dma_semaphore, #tpu.memory_space<semaphore_mem>>)
      } else {
      }
      %dma_wait3A_249 = arith.constant 2 : i32
      %dma_wait3A_250 = arith.constant 2 : i32
      %dma_wait3A_251 = arith.constant 0 : i32
      %dma_wait3A_252 = arith.constant 0 : i32
      %dma_wait3A_253 = tpu.memref_slice %arg7[%dma_wait3A_249, %dma_wait3A_251, %dma_wait3A_252] : memref<5x40x128xf32, #tpu.memory_space<vmem>> -> memref<1x40x128xf32, #tpu.memory_space<vmem>>
      %dma_wait3A_254 = tpu.memref_squeeze %dma_wait3A_253 : memref<1x40x128xf32, #tpu.memory_space<vmem>> -> memref<40x128xf32, #tpu.memory_space<vmem>>
      %dma_wait3A_255 = arith.constant 0 : i32
      %dma_wait3A_256 = tpu.memref_slice %arg6[%dma_wait3A_255] : memref<10000xi32, #tpu.memory_space<vmem>> -> memref<40xi32, #tpu.memory_space<vmem>>
      %dma_wait3A_257 = arith.constant 0 : i32
      %dma_wait3A_258 = arith.constant 0 : i32
      %dma_wait3A_259 = tpu.memref_slice %arg5[%dma_wait3A_257, %dma_wait3A_258] : memref<10000x128xf32, #tpu.memory_space<vmem_shared>> -> memref<10000x128xf32, #tpu.memory_space<vmem_shared>>
      %dma_wait3A_260 = tpu.memref_slice %arg8[%dma_wait3A_250] : memref<5x!tpu.dma_semaphore, #tpu.memory_space<semaphore_mem>> -> memref<1x!tpu.dma_semaphore, #tpu.memory_space<semaphore_mem>>
      %dma_wait3A_261 = tpu.memref_squeeze %dma_wait3A_260 : memref<1x!tpu.dma_semaphore, #tpu.memory_space<semaphore_mem>> -> memref<!tpu.dma_semaphore, #tpu.memory_space<semaphore_mem>>
      tpu.wait_indirect_dma semaphore(%dma_wait3A_261 : memref<!tpu.dma_semaphore, #tpu.memory_space<semaphore_mem>>) src(%dma_wait3A_259 : memref<10000x128xf32, #tpu.memory_space<vmem_shared>>) dst(%dma_wait3A_254 : memref<40x128xf32, #tpu.memory_space<vmem>>)
      %mul3A_262 = arith.constant 40 : i32
      %mul3A_263 = arith.muli %add3A_230, %mul3A_262 : i32
      %add3A_264 = arith.addi %multiple_of3A_5, %mul3A_263 : i32
      %multiple_of3A_265 = tpu.assume_multiple %add3A_264, 8 : i32
      %dma_start3A_266 = arith.constant 2 : i32
      %dma_start3A_267 = arith.constant 2 : i32
      %dma_start3A_268 = arith.constant 0 : i32
      %dma_start3A_269 = arith.constant 0 : i32
      %dma_start3A_270 = tpu.memref_slice %arg7[%dma_start3A_266, %dma_start3A_268, %dma_start3A_269] : memref<5x40x128xf32, #tpu.memory_space<vmem>> -> memref<1x40x128xf32, #tpu.memory_space<vmem>>
      %dma_start3A_271 = tpu.memref_squeeze %dma_start3A_270 : memref<1x40x128xf32, #tpu.memory_space<vmem>> -> memref<40x128xf32, #tpu.memory_space<vmem>>
      %dma_start3A_272 = arith.constant 0 : i32
      %dma_start3A_273 = tpu.memref_slice %arg4[%multiple_of3A_265, %dma_start3A_272] : memref<327680x128xf32, #tpu.memory_space<hbm>> -> memref<40x128xf32, #tpu.memory_space<hbm>>
      %dma_start3A_274 = tpu.memref_slice %arg9[%dma_start3A_267] : memref<5x!tpu.dma_semaphore, #tpu.memory_space<semaphore_mem>> -> memref<1x!tpu.dma_semaphore, #tpu.memory_space<semaphore_mem>>
      %dma_start3A_275 = tpu.memref_squeeze %dma_start3A_274 : memref<1x!tpu.dma_semaphore, #tpu.memory_space<semaphore_mem>> -> memref<!tpu.dma_semaphore, #tpu.memory_space<semaphore_mem>>
      %dma_start3A_276 = arith.constant 0 : i32
      %dma_start3A_277 = tpu.memref_slice %arg4[%multiple_of3A_265, %dma_start3A_276] : memref<327680x128xf32, #tpu.memory_space<hbm>> -> memref<40x128xf32, #tpu.memory_space<hbm>>
      %dma_start3A_278 = arith.constant 0 : i32
      %dma_start3A_279 = arith.constant 0 : i32
      %dma_start3A_280 = tpu.memref_slice %arg7[%dma_start3A_266, %dma_start3A_278, %dma_start3A_279] : memref<5x40x128xf32, #tpu.memory_space<vmem>> -> memref<1x40x128xf32, #tpu.memory_space<vmem>>
      %dma_start3A_281 = tpu.memref_squeeze %dma_start3A_280 : memref<1x40x128xf32, #tpu.memory_space<vmem>> -> memref<40x128xf32, #tpu.memory_space<vmem>>
      tpu.enqueue_dma source(%dma_start3A_281 : memref<40x128xf32, #tpu.memory_space<vmem>>) target(%dma_start3A_277 : memref<40x128xf32, #tpu.memory_space<hbm>>) target_semaphore(%dma_start3A_275 : memref<!tpu.dma_semaphore, #tpu.memory_space<semaphore_mem>>)
      %mul3A_282 = arith.constant 5 : i32
      %mul3A_283 = arith.muli %scan3A_119, %mul3A_282 : i32
      %add3A_284 = arith.constant 3 : i32
      %add3A_285 = arith.addi %mul3A_283, %add3A_284 : i32
      %add3A_286 = arith.constant 2 : i32
      %add3A_287 = arith.addi %add3A_285, %add3A_286 : i32
      %ge3A_288 = arith.constant 5 : i32
      %ge3A_289 = arith.cmpi sge, %add3A_287, %ge3A_288 : i32
      %lt3A_290 = arith.constant 250 : i32
      %lt3A_291 = arith.cmpi slt, %add3A_287, %lt3A_290 : i32
      %and3A_292 = arith.andi %ge3A_289, %lt3A_291 : i1
      %convert_element_type3A_293 = arith.extui %and3A_292 : i1 to i32
      %cond3A_294 = arith.constant 0 : i32
      %cond3A_295 = arith.cmpi ne, %convert_element_type3A_293, %cond3A_294 : i32
      scf.if %cond3A_295 {
        %dma_wait3A_392 = arith.constant 0 : i32
        %dma_wait3A_393 = arith.constant 0 : i32
        %dma_wait3A_394 = arith.constant 0 : i32
        %dma_wait3A_395 = arith.constant 0 : i32
        %dma_wait3A_396 = tpu.memref_slice %arg7[%dma_wait3A_392, %dma_wait3A_394, %dma_wait3A_395] : memref<5x40x128xf32, #tpu.memory_space<vmem>> -> memref<1x40x128xf32, #tpu.memory_space<vmem>>
        %dma_wait3A_397 = tpu.memref_squeeze %dma_wait3A_396 : memref<1x40x128xf32, #tpu.memory_space<vmem>> -> memref<40x128xf32, #tpu.memory_space<vmem>>
        %dma_wait3A_398 = arith.constant 0 : i32
        %dma_wait3A_399 = tpu.memref_slice %arg4[%multiple_of3A_5, %dma_wait3A_398] : memref<327680x128xf32, #tpu.memory_space<hbm>> -> memref<40x128xf32, #tpu.memory_space<hbm>>
        %dma_wait3A_400 = tpu.memref_slice %arg9[%dma_wait3A_393] : memref<5x!tpu.dma_semaphore, #tpu.memory_space<semaphore_mem>> -> memref<1x!tpu.dma_semaphore, #tpu.memory_space<semaphore_mem>>
        %dma_wait3A_401 = tpu.memref_squeeze %dma_wait3A_400 : memref<1x!tpu.dma_semaphore, #tpu.memory_space<semaphore_mem>> -> memref<!tpu.dma_semaphore, #tpu.memory_space<semaphore_mem>>
        %dma_wait3A_402 = arith.constant 0 : i32
        %dma_wait3A_403 = tpu.memref_slice %arg4[%multiple_of3A_5, %dma_wait3A_402] : memref<327680x128xf32, #tpu.memory_space<hbm>> -> memref<40x128xf32, #tpu.memory_space<hbm>>
        %dma_wait3A_404 = arith.constant 0 : i32
        %dma_wait3A_405 = arith.constant 0 : i32
        %dma_wait3A_406 = tpu.memref_slice %arg7[%dma_wait3A_392, %dma_wait3A_404, %dma_wait3A_405] : memref<5x40x128xf32, #tpu.memory_space<vmem>> -> memref<1x40x128xf32, #tpu.memory_space<vmem>>
        %dma_wait3A_407 = tpu.memref_squeeze %dma_wait3A_406 : memref<1x40x128xf32, #tpu.memory_space<vmem>> -> memref<40x128xf32, #tpu.memory_space<vmem>>
        tpu.wait_dma2 semaphore(%dma_wait3A_401 : memref<!tpu.dma_semaphore, #tpu.memory_space<semaphore_mem>>) src(%dma_wait3A_407 : memref<40x128xf32, #tpu.memory_space<vmem>>) dst(%dma_wait3A_403 : memref<40x128xf32, #tpu.memory_space<hbm>>)
        %mul3A_408 = arith.constant 40 : i32
        %mul3A_409 = arith.muli %add3A_287, %mul3A_408 : i32
        %multiple_of3A_410 = tpu.assume_multiple %mul3A_409, 8 : i32
        %dma_start3A_411 = arith.constant 0 : i32
        %dma_start3A_412 = arith.constant 0 : i32
        %dma_start3A_413 = arith.constant 0 : i32
        %dma_start3A_414 = arith.constant 0 : i32
        %dma_start3A_415 = tpu.memref_slice %arg7[%dma_start3A_411, %dma_start3A_413, %dma_start3A_414] : memref<5x40x128xf32, #tpu.memory_space<vmem>> -> memref<1x40x128xf32, #tpu.memory_space<vmem>>
        %dma_start3A_416 = tpu.memref_squeeze %dma_start3A_415 : memref<1x40x128xf32, #tpu.memory_space<vmem>> -> memref<40x128xf32, #tpu.memory_space<vmem>>
        %dma_start3A_417 = tpu.memref_slice %arg6[%multiple_of3A_410] : memref<10000xi32, #tpu.memory_space<vmem>> -> memref<40xi32, #tpu.memory_space<vmem>>
        %dma_start3A_418 = arith.constant 0 : i32
        %dma_start3A_419 = arith.constant 0 : i32
        %dma_start3A_420 = tpu.memref_slice %arg5[%dma_start3A_418, %dma_start3A_419] : memref<10000x128xf32, #tpu.memory_space<vmem_shared>> -> memref<10000x128xf32, #tpu.memory_space<vmem_shared>>
        %dma_start3A_421 = tpu.memref_slice %arg8[%dma_start3A_412] : memref<5x!tpu.dma_semaphore, #tpu.memory_space<semaphore_mem>> -> memref<1x!tpu.dma_semaphore, #tpu.memory_space<semaphore_mem>>
        %dma_start3A_422 = tpu.memref_squeeze %dma_start3A_421 : memref<1x!tpu.dma_semaphore, #tpu.memory_space<semaphore_mem>> -> memref<!tpu.dma_semaphore, #tpu.memory_space<semaphore_mem>>
        tpu.enqueue_indirect_dma source(%dma_start3A_420 : memref<10000x128xf32, #tpu.memory_space<vmem_shared>>) target(%dma_start3A_416 : memref<40x128xf32, #tpu.memory_space<vmem>>) offsets(%dma_start3A_417 : memref<40xi32, #tpu.memory_space<vmem>>) semaphore(%dma_start3A_422 : memref<!tpu.dma_semaphore, #tpu.memory_space<semaphore_mem>>)
      } else {
      }
      %ge3A_296 = arith.constant 2 : i32
      %ge3A_297 = arith.cmpi sge, %add3A_287, %ge3A_296 : i32
      %lt3A_298 = arith.constant 5 : i32
      %lt3A_299 = arith.cmpi slt, %add3A_287, %lt3A_298 : i32
      %and3A_300 = arith.andi %ge3A_297, %lt3A_299 : i1
      %convert_element_type3A_301 = arith.extui %and3A_300 : i1 to i32
      %cond3A_302 = arith.constant 0 : i32
      %cond3A_303 = arith.cmpi ne, %convert_element_type3A_301, %cond3A_302 : i32
      scf.if %cond3A_303 {
        %mul3A_392 = arith.constant 40 : i32
        %mul3A_393 = arith.muli %add3A_287, %mul3A_392 : i32
        %multiple_of3A_394 = tpu.assume_multiple %mul3A_393, 8 : i32
        %dma_start3A_395 = arith.constant 0 : i32
        %dma_start3A_396 = arith.constant 0 : i32
        %dma_start3A_397 = arith.constant 0 : i32
        %dma_start3A_398 = arith.constant 0 : i32
        %dma_start3A_399 = tpu.memref_slice %arg7[%dma_start3A_395, %dma_start3A_397, %dma_start3A_398] : memref<5x40x128xf32, #tpu.memory_space<vmem>> -> memref<1x40x128xf32, #tpu.memory_space<vmem>>
        %dma_start3A_400 = tpu.memref_squeeze %dma_start3A_399 : memref<1x40x128xf32, #tpu.memory_space<vmem>> -> memref<40x128xf32, #tpu.memory_space<vmem>>
        %dma_start3A_401 = tpu.memref_slice %arg6[%multiple_of3A_394] : memref<10000xi32, #tpu.memory_space<vmem>> -> memref<40xi32, #tpu.memory_space<vmem>>
        %dma_start3A_402 = arith.constant 0 : i32
        %dma_start3A_403 = arith.constant 0 : i32
        %dma_start3A_404 = tpu.memref_slice %arg5[%dma_start3A_402, %dma_start3A_403] : memref<10000x128xf32, #tpu.memory_space<vmem_shared>> -> memref<10000x128xf32, #tpu.memory_space<vmem_shared>>
        %dma_start3A_405 = tpu.memref_slice %arg8[%dma_start3A_396] : memref<5x!tpu.dma_semaphore, #tpu.memory_space<semaphore_mem>> -> memref<1x!tpu.dma_semaphore, #tpu.memory_space<semaphore_mem>>
        %dma_start3A_406 = tpu.memref_squeeze %dma_start3A_405 : memref<1x!tpu.dma_semaphore, #tpu.memory_space<semaphore_mem>> -> memref<!tpu.dma_semaphore, #tpu.memory_space<semaphore_mem>>
        tpu.enqueue_indirect_dma source(%dma_start3A_404 : memref<10000x128xf32, #tpu.memory_space<vmem_shared>>) target(%dma_start3A_400 : memref<40x128xf32, #tpu.memory_space<vmem>>) offsets(%dma_start3A_401 : memref<40xi32, #tpu.memory_space<vmem>>) semaphore(%dma_start3A_406 : memref<!tpu.dma_semaphore, #tpu.memory_space<semaphore_mem>>)
      } else {
      }
      %dma_wait3A_304 = arith.constant 3 : i32
      %dma_wait3A_305 = arith.constant 3 : i32
      %dma_wait3A_306 = arith.constant 0 : i32
      %dma_wait3A_307 = arith.constant 0 : i32
      %dma_wait3A_308 = tpu.memref_slice %arg7[%dma_wait3A_304, %dma_wait3A_306, %dma_wait3A_307] : memref<5x40x128xf32, #tpu.memory_space<vmem>> -> memref<1x40x128xf32, #tpu.memory_space<vmem>>
      %dma_wait3A_309 = tpu.memref_squeeze %dma_wait3A_308 : memref<1x40x128xf32, #tpu.memory_space<vmem>> -> memref<40x128xf32, #tpu.memory_space<vmem>>
      %dma_wait3A_310 = arith.constant 0 : i32
      %dma_wait3A_311 = tpu.memref_slice %arg6[%dma_wait3A_310] : memref<10000xi32, #tpu.memory_space<vmem>> -> memref<40xi32, #tpu.memory_space<vmem>>
      %dma_wait3A_312 = arith.constant 0 : i32
      %dma_wait3A_313 = arith.constant 0 : i32
      %dma_wait3A_314 = tpu.memref_slice %arg5[%dma_wait3A_312, %dma_wait3A_313] : memref<10000x128xf32, #tpu.memory_space<vmem_shared>> -> memref<10000x128xf32, #tpu.memory_space<vmem_shared>>
      %dma_wait3A_315 = tpu.memref_slice %arg8[%dma_wait3A_305] : memref<5x!tpu.dma_semaphore, #tpu.memory_space<semaphore_mem>> -> memref<1x!tpu.dma_semaphore, #tpu.memory_space<semaphore_mem>>
      %dma_wait3A_316 = tpu.memref_squeeze %dma_wait3A_315 : memref<1x!tpu.dma_semaphore, #tpu.memory_space<semaphore_mem>> -> memref<!tpu.dma_semaphore, #tpu.memory_space<semaphore_mem>>
      tpu.wait_indirect_dma semaphore(%dma_wait3A_316 : memref<!tpu.dma_semaphore, #tpu.memory_space<semaphore_mem>>) src(%dma_wait3A_314 : memref<10000x128xf32, #tpu.memory_space<vmem_shared>>) dst(%dma_wait3A_309 : memref<40x128xf32, #tpu.memory_space<vmem>>)
      %mul3A_317 = arith.constant 40 : i32
      %mul3A_318 = arith.muli %add3A_285, %mul3A_317 : i32
      %add3A_319 = arith.addi %multiple_of3A_5, %mul3A_318 : i32
      %multiple_of3A_320 = tpu.assume_multiple %add3A_319, 8 : i32
      %dma_start3A_321 = arith.constant 3 : i32
      %dma_start3A_322 = arith.constant 3 : i32
      %dma_start3A_323 = arith.constant 0 : i32
      %dma_start3A_324 = arith.constant 0 : i32
      %dma_start3A_325 = tpu.memref_slice %arg7[%dma_start3A_321, %dma_start3A_323, %dma_start3A_324] : memref<5x40x128xf32, #tpu.memory_space<vmem>> -> memref<1x40x128xf32, #tpu.memory_space<vmem>>
      %dma_start3A_326 = tpu.memref_squeeze %dma_start3A_325 : memref<1x40x128xf32, #tpu.memory_space<vmem>> -> memref<40x128xf32, #tpu.memory_space<vmem>>
      %dma_start3A_327 = arith.constant 0 : i32
      %dma_start3A_328 = tpu.memref_slice %arg4[%multiple_of3A_320, %dma_start3A_327] : memref<327680x128xf32, #tpu.memory_space<hbm>> -> memref<40x128xf32, #tpu.memory_space<hbm>>
      %dma_start3A_329 = tpu.memref_slice %arg9[%dma_start3A_322] : memref<5x!tpu.dma_semaphore, #tpu.memory_space<semaphore_mem>> -> memref<1x!tpu.dma_semaphore, #tpu.memory_space<semaphore_mem>>
      %dma_start3A_330 = tpu.memref_squeeze %dma_start3A_329 : memref<1x!tpu.dma_semaphore, #tpu.memory_space<semaphore_mem>> -> memref<!tpu.dma_semaphore, #tpu.memory_space<semaphore_mem>>
      %dma_start3A_331 = arith.constant 0 : i32
      %dma_start3A_332 = tpu.memref_slice %arg4[%multiple_of3A_320, %dma_start3A_331] : memref<327680x128xf32, #tpu.memory_space<hbm>> -> memref<40x128xf32, #tpu.memory_space<hbm>>
      %dma_start3A_333 = arith.constant 0 : i32
      %dma_start3A_334 = arith.constant 0 : i32
      %dma_start3A_335 = tpu.memref_slice %arg7[%dma_start3A_321, %dma_start3A_333, %dma_start3A_334] : memref<5x40x128xf32, #tpu.memory_space<vmem>> -> memref<1x40x128xf32, #tpu.memory_space<vmem>>
      %dma_start3A_336 = tpu.memref_squeeze %dma_start3A_335 : memref<1x40x128xf32, #tpu.memory_space<vmem>> -> memref<40x128xf32, #tpu.memory_space<vmem>>
      tpu.enqueue_dma source(%dma_start3A_336 : memref<40x128xf32, #tpu.memory_space<vmem>>) target(%dma_start3A_332 : memref<40x128xf32, #tpu.memory_space<hbm>>) target_semaphore(%dma_start3A_330 : memref<!tpu.dma_semaphore, #tpu.memory_space<semaphore_mem>>)
      %mul3A_337 = arith.constant 5 : i32
      %mul3A_338 = arith.muli %scan3A_119, %mul3A_337 : i32
      %add3A_339 = arith.constant 4 : i32
      %add3A_340 = arith.addi %mul3A_338, %add3A_339 : i32
      %add3A_341 = arith.constant 2 : i32
      %add3A_342 = arith.addi %add3A_340, %add3A_341 : i32
      %ge3A_343 = arith.constant 5 : i32
      %ge3A_344 = arith.cmpi sge, %add3A_342, %ge3A_343 : i32
      %lt3A_345 = arith.constant 250 : i32
      %lt3A_346 = arith.cmpi slt, %add3A_342, %lt3A_345 : i32
      %and3A_347 = arith.andi %ge3A_344, %lt3A_346 : i1
      %convert_element_type3A_348 = arith.extui %and3A_347 : i1 to i32
      %cond3A_349 = arith.constant 0 : i32
      %cond3A_350 = arith.cmpi ne, %convert_element_type3A_348, %cond3A_349 : i32
      scf.if %cond3A_350 {
        %dma_wait3A_392 = arith.constant 1 : i32
        %dma_wait3A_393 = arith.constant 1 : i32
        %dma_wait3A_394 = arith.constant 0 : i32
        %dma_wait3A_395 = arith.constant 0 : i32
        %dma_wait3A_396 = tpu.memref_slice %arg7[%dma_wait3A_392, %dma_wait3A_394, %dma_wait3A_395] : memref<5x40x128xf32, #tpu.memory_space<vmem>> -> memref<1x40x128xf32, #tpu.memory_space<vmem>>
        %dma_wait3A_397 = tpu.memref_squeeze %dma_wait3A_396 : memref<1x40x128xf32, #tpu.memory_space<vmem>> -> memref<40x128xf32, #tpu.memory_space<vmem>>
        %dma_wait3A_398 = arith.constant 0 : i32
        %dma_wait3A_399 = tpu.memref_slice %arg4[%multiple_of3A_5, %dma_wait3A_398] : memref<327680x128xf32, #tpu.memory_space<hbm>> -> memref<40x128xf32, #tpu.memory_space<hbm>>
        %dma_wait3A_400 = tpu.memref_slice %arg9[%dma_wait3A_393] : memref<5x!tpu.dma_semaphore, #tpu.memory_space<semaphore_mem>> -> memref<1x!tpu.dma_semaphore, #tpu.memory_space<semaphore_mem>>
        %dma_wait3A_401 = tpu.memref_squeeze %dma_wait3A_400 : memref<1x!tpu.dma_semaphore, #tpu.memory_space<semaphore_mem>> -> memref<!tpu.dma_semaphore, #tpu.memory_space<semaphore_mem>>
        %dma_wait3A_402 = arith.constant 0 : i32
        %dma_wait3A_403 = tpu.memref_slice %arg4[%multiple_of3A_5, %dma_wait3A_402] : memref<327680x128xf32, #tpu.memory_space<hbm>> -> memref<40x128xf32, #tpu.memory_space<hbm>>
        %dma_wait3A_404 = arith.constant 0 : i32
        %dma_wait3A_405 = arith.constant 0 : i32
        %dma_wait3A_406 = tpu.memref_slice %arg7[%dma_wait3A_392, %dma_wait3A_404, %dma_wait3A_405] : memref<5x40x128xf32, #tpu.memory_space<vmem>> -> memref<1x40x128xf32, #tpu.memory_space<vmem>>
        %dma_wait3A_407 = tpu.memref_squeeze %dma_wait3A_406 : memref<1x40x128xf32, #tpu.memory_space<vmem>> -> memref<40x128xf32, #tpu.memory_space<vmem>>
        tpu.wait_dma2 semaphore(%dma_wait3A_401 : memref<!tpu.dma_semaphore, #tpu.memory_space<semaphore_mem>>) src(%dma_wait3A_407 : memref<40x128xf32, #tpu.memory_space<vmem>>) dst(%dma_wait3A_403 : memref<40x128xf32, #tpu.memory_space<hbm>>)
        %mul3A_408 = arith.constant 40 : i32
        %mul3A_409 = arith.muli %add3A_342, %mul3A_408 : i32
        %multiple_of3A_410 = tpu.assume_multiple %mul3A_409, 8 : i32
        %dma_start3A_411 = arith.constant 1 : i32
        %dma_start3A_412 = arith.constant 1 : i32
        %dma_start3A_413 = arith.constant 0 : i32
        %dma_start3A_414 = arith.constant 0 : i32
        %dma_start3A_415 = tpu.memref_slice %arg7[%dma_start3A_411, %dma_start3A_413, %dma_start3A_414] : memref<5x40x128xf32, #tpu.memory_space<vmem>> -> memref<1x40x128xf32, #tpu.memory_space<vmem>>
        %dma_start3A_416 = tpu.memref_squeeze %dma_start3A_415 : memref<1x40x128xf32, #tpu.memory_space<vmem>> -> memref<40x128xf32, #tpu.memory_space<vmem>>
        %dma_start3A_417 = tpu.memref_slice %arg6[%multiple_of3A_410] : memref<10000xi32, #tpu.memory_space<vmem>> -> memref<40xi32, #tpu.memory_space<vmem>>
        %dma_start3A_418 = arith.constant 0 : i32
        %dma_start3A_419 = arith.constant 0 : i32
        %dma_start3A_420 = tpu.memref_slice %arg5[%dma_start3A_418, %dma_start3A_419] : memref<10000x128xf32, #tpu.memory_space<vmem_shared>> -> memref<10000x128xf32, #tpu.memory_space<vmem_shared>>
        %dma_start3A_421 = tpu.memref_slice %arg8[%dma_start3A_412] : memref<5x!tpu.dma_semaphore, #tpu.memory_space<semaphore_mem>> -> memref<1x!tpu.dma_semaphore, #tpu.memory_space<semaphore_mem>>
        %dma_start3A_422 = tpu.memref_squeeze %dma_start3A_421 : memref<1x!tpu.dma_semaphore, #tpu.memory_space<semaphore_mem>> -> memref<!tpu.dma_semaphore, #tpu.memory_space<semaphore_mem>>
        tpu.enqueue_indirect_dma source(%dma_start3A_420 : memref<10000x128xf32, #tpu.memory_space<vmem_shared>>) target(%dma_start3A_416 : memref<40x128xf32, #tpu.memory_space<vmem>>) offsets(%dma_start3A_417 : memref<40xi32, #tpu.memory_space<vmem>>) semaphore(%dma_start3A_422 : memref<!tpu.dma_semaphore, #tpu.memory_space<semaphore_mem>>)
      } else {
      }
      %ge3A_351 = arith.constant 2 : i32
      %ge3A_352 = arith.cmpi sge, %add3A_342, %ge3A_351 : i32
      %lt3A_353 = arith.constant 5 : i32
      %lt3A_354 = arith.cmpi slt, %add3A_342, %lt3A_353 : i32
      %and3A_355 = arith.andi %ge3A_352, %lt3A_354 : i1
      %convert_element_type3A_356 = arith.extui %and3A_355 : i1 to i32
      %cond3A_357 = arith.constant 0 : i32
      %cond3A_358 = arith.cmpi ne, %convert_element_type3A_356, %cond3A_357 : i32
      scf.if %cond3A_358 {
        %mul3A_392 = arith.constant 40 : i32
        %mul3A_393 = arith.muli %add3A_342, %mul3A_392 : i32
        %multiple_of3A_394 = tpu.assume_multiple %mul3A_393, 8 : i32
        %dma_start3A_395 = arith.constant 1 : i32
        %dma_start3A_396 = arith.constant 1 : i32
        %dma_start3A_397 = arith.constant 0 : i32
        %dma_start3A_398 = arith.constant 0 : i32
        %dma_start3A_399 = tpu.memref_slice %arg7[%dma_start3A_395, %dma_start3A_397, %dma_start3A_398] : memref<5x40x128xf32, #tpu.memory_space<vmem>> -> memref<1x40x128xf32, #tpu.memory_space<vmem>>
        %dma_start3A_400 = tpu.memref_squeeze %dma_start3A_399 : memref<1x40x128xf32, #tpu.memory_space<vmem>> -> memref<40x128xf32, #tpu.memory_space<vmem>>
        %dma_start3A_401 = tpu.memref_slice %arg6[%multiple_of3A_394] : memref<10000xi32, #tpu.memory_space<vmem>> -> memref<40xi32, #tpu.memory_space<vmem>>
        %dma_start3A_402 = arith.constant 0 : i32
        %dma_start3A_403 = arith.constant 0 : i32
        %dma_start3A_404 = tpu.memref_slice %arg5[%dma_start3A_402, %dma_start3A_403] : memref<10000x128xf32, #tpu.memory_space<vmem_shared>> -> memref<10000x128xf32, #tpu.memory_space<vmem_shared>>
        %dma_start3A_405 = tpu.memref_slice %arg8[%dma_start3A_396] : memref<5x!tpu.dma_semaphore, #tpu.memory_space<semaphore_mem>> -> memref<1x!tpu.dma_semaphore, #tpu.memory_space<semaphore_mem>>
        %dma_start3A_406 = tpu.memref_squeeze %dma_start3A_405 : memref<1x!tpu.dma_semaphore, #tpu.memory_space<semaphore_mem>> -> memref<!tpu.dma_semaphore, #tpu.memory_space<semaphore_mem>>
        tpu.enqueue_indirect_dma source(%dma_start3A_404 : memref<10000x128xf32, #tpu.memory_space<vmem_shared>>) target(%dma_start3A_400 : memref<40x128xf32, #tpu.memory_space<vmem>>) offsets(%dma_start3A_401 : memref<40xi32, #tpu.memory_space<vmem>>) semaphore(%dma_start3A_406 : memref<!tpu.dma_semaphore, #tpu.memory_space<semaphore_mem>>)
      } else {
      }
      %dma_wait3A_359 = arith.constant 4 : i32
      %dma_wait3A_360 = arith.constant 4 : i32
      %dma_wait3A_361 = arith.constant 0 : i32
      %dma_wait3A_362 = arith.constant 0 : i32
      %dma_wait3A_363 = tpu.memref_slice %arg7[%dma_wait3A_359, %dma_wait3A_361, %dma_wait3A_362] : memref<5x40x128xf32, #tpu.memory_space<vmem>> -> memref<1x40x128xf32, #tpu.memory_space<vmem>>
      %dma_wait3A_364 = tpu.memref_squeeze %dma_wait3A_363 : memref<1x40x128xf32, #tpu.memory_space<vmem>> -> memref<40x128xf32, #tpu.memory_space<vmem>>
      %dma_wait3A_365 = arith.constant 0 : i32
      %dma_wait3A_366 = tpu.memref_slice %arg6[%dma_wait3A_365] : memref<10000xi32, #tpu.memory_space<vmem>> -> memref<40xi32, #tpu.memory_space<vmem>>
      %dma_wait3A_367 = arith.constant 0 : i32
      %dma_wait3A_368 = arith.constant 0 : i32
      %dma_wait3A_369 = tpu.memref_slice %arg5[%dma_wait3A_367, %dma_wait3A_368] : memref<10000x128xf32, #tpu.memory_space<vmem_shared>> -> memref<10000x128xf32, #tpu.memory_space<vmem_shared>>
      %dma_wait3A_370 = tpu.memref_slice %arg8[%dma_wait3A_360] : memref<5x!tpu.dma_semaphore, #tpu.memory_space<semaphore_mem>> -> memref<1x!tpu.dma_semaphore, #tpu.memory_space<semaphore_mem>>
      %dma_wait3A_371 = tpu.memref_squeeze %dma_wait3A_370 : memref<1x!tpu.dma_semaphore, #tpu.memory_space<semaphore_mem>> -> memref<!tpu.dma_semaphore, #tpu.memory_space<semaphore_mem>>
      tpu.wait_indirect_dma semaphore(%dma_wait3A_371 : memref<!tpu.dma_semaphore, #tpu.memory_space<semaphore_mem>>) src(%dma_wait3A_369 : memref<10000x128xf32, #tpu.memory_space<vmem_shared>>) dst(%dma_wait3A_364 : memref<40x128xf32, #tpu.memory_space<vmem>>)
      %mul3A_372 = arith.constant 40 : i32
      %mul3A_373 = arith.muli %add3A_340, %mul3A_372 : i32
      %add3A_374 = arith.addi %multiple_of3A_5, %mul3A_373 : i32
      %multiple_of3A_375 = tpu.assume_multiple %add3A_374, 8 : i32
      %dma_start3A_376 = arith.constant 4 : i32
      %dma_start3A_377 = arith.constant 4 : i32
      %dma_start3A_378 = arith.constant 0 : i32
      %dma_start3A_379 = arith.constant 0 : i32
      %dma_start3A_380 = tpu.memref_slice %arg7[%dma_start3A_376, %dma_start3A_378, %dma_start3A_379] : memref<5x40x128xf32, #tpu.memory_space<vmem>> -> memref<1x40x128xf32, #tpu.memory_space<vmem>>
      %dma_start3A_381 = tpu.memref_squeeze %dma_start3A_380 : memref<1x40x128xf32, #tpu.memory_space<vmem>> -> memref<40x128xf32, #tpu.memory_space<vmem>>
      %dma_start3A_382 = arith.constant 0 : i32
      %dma_start3A_383 = tpu.memref_slice %arg4[%multiple_of3A_375, %dma_start3A_382] : memref<327680x128xf32, #tpu.memory_space<hbm>> -> memref<40x128xf32, #tpu.memory_space<hbm>>
      %dma_start3A_384 = tpu.memref_slice %arg9[%dma_start3A_377] : memref<5x!tpu.dma_semaphore, #tpu.memory_space<semaphore_mem>> -> memref<1x!tpu.dma_semaphore, #tpu.memory_space<semaphore_mem>>
      %dma_start3A_385 = tpu.memref_squeeze %dma_start3A_384 : memref<1x!tpu.dma_semaphore, #tpu.memory_space<semaphore_mem>> -> memref<!tpu.dma_semaphore, #tpu.memory_space<semaphore_mem>>
      %dma_start3A_386 = arith.constant 0 : i32
      %dma_start3A_387 = tpu.memref_slice %arg4[%multiple_of3A_375, %dma_start3A_386] : memref<327680x128xf32, #tpu.memory_space<hbm>> -> memref<40x128xf32, #tpu.memory_space<hbm>>
      %dma_start3A_388 = arith.constant 0 : i32
      %dma_start3A_389 = arith.constant 0 : i32
      %dma_start3A_390 = tpu.memref_slice %arg7[%dma_start3A_376, %dma_start3A_388, %dma_start3A_389] : memref<5x40x128xf32, #tpu.memory_space<vmem>> -> memref<1x40x128xf32, #tpu.memory_space<vmem>>
      %dma_start3A_391 = tpu.memref_squeeze %dma_start3A_390 : memref<1x40x128xf32, #tpu.memory_space<vmem>> -> memref<40x128xf32, #tpu.memory_space<vmem>>
      tpu.enqueue_dma source(%dma_start3A_391 : memref<40x128xf32, #tpu.memory_space<vmem>>) target(%dma_start3A_387 : memref<40x128xf32, #tpu.memory_space<hbm>>) target_semaphore(%dma_start3A_385 : memref<!tpu.dma_semaphore, #tpu.memory_space<semaphore_mem>>)
    }
    %scan3A_39 = arith.constant 50 : i32
    %dma_wait3A = arith.constant 0 : i32
    %dma_wait3A_40 = arith.constant 0 : i32
    %dma_wait3A_41 = arith.constant 0 : i32
    %dma_wait3A_42 = arith.constant 0 : i32
    %dma_wait3A_43 = tpu.memref_slice %arg7[%dma_wait3A, %dma_wait3A_41, %dma_wait3A_42] : memref<5x40x128xf32, #tpu.memory_space<vmem>> -> memref<1x40x128xf32, #tpu.memory_space<vmem>>
    %dma_wait3A_44 = tpu.memref_squeeze %dma_wait3A_43 : memref<1x40x128xf32, #tpu.memory_space<vmem>> -> memref<40x128xf32, #tpu.memory_space<vmem>>
    %dma_wait3A_45 = arith.constant 0 : i32
    %dma_wait3A_46 = tpu.memref_slice %arg4[%multiple_of3A_5, %dma_wait3A_45] : memref<327680x128xf32, #tpu.memory_space<hbm>> -> memref<40x128xf32, #tpu.memory_space<hbm>>
    %dma_wait3A_47 = tpu.memref_slice %arg9[%dma_wait3A_40] : memref<5x!tpu.dma_semaphore, #tpu.memory_space<semaphore_mem>> -> memref<1x!tpu.dma_semaphore, #tpu.memory_space<semaphore_mem>>
    %dma_wait3A_48 = tpu.memref_squeeze %dma_wait3A_47 : memref<1x!tpu.dma_semaphore, #tpu.memory_space<semaphore_mem>> -> memref<!tpu.dma_semaphore, #tpu.memory_space<semaphore_mem>>
    %dma_wait3A_49 = arith.constant 0 : i32
    %dma_wait3A_50 = tpu.memref_slice %arg4[%multiple_of3A_5, %dma_wait3A_49] : memref<327680x128xf32, #tpu.memory_space<hbm>> -> memref<40x128xf32, #tpu.memory_space<hbm>>
    %dma_wait3A_51 = arith.constant 0 : i32
    %dma_wait3A_52 = arith.constant 0 : i32
    %dma_wait3A_53 = tpu.memref_slice %arg7[%dma_wait3A, %dma_wait3A_51, %dma_wait3A_52] : memref<5x40x128xf32, #tpu.memory_space<vmem>> -> memref<1x40x128xf32, #tpu.memory_space<vmem>>
    %dma_wait3A_54 = tpu.memref_squeeze %dma_wait3A_53 : memref<1x40x128xf32, #tpu.memory_space<vmem>> -> memref<40x128xf32, #tpu.memory_space<vmem>>
    tpu.wait_dma2 semaphore(%dma_wait3A_48 : memref<!tpu.dma_semaphore, #tpu.memory_space<semaphore_mem>>) src(%dma_wait3A_54 : memref<40x128xf32, #tpu.memory_space<vmem>>) dst(%dma_wait3A_50 : memref<40x128xf32, #tpu.memory_space<hbm>>)
    %dma_wait3A_55 = arith.constant 1 : i32
    %dma_wait3A_56 = arith.constant 1 : i32
    %dma_wait3A_57 = arith.constant 0 : i32
    %dma_wait3A_58 = arith.constant 0 : i32
    %dma_wait3A_59 = tpu.memref_slice %arg7[%dma_wait3A_55, %dma_wait3A_57, %dma_wait3A_58] : memref<5x40x128xf32, #tpu.memory_space<vmem>> -> memref<1x40x128xf32, #tpu.memory_space<vmem>>
    %dma_wait3A_60 = tpu.memref_squeeze %dma_wait3A_59 : memref<1x40x128xf32, #tpu.memory_space<vmem>> -> memref<40x128xf32, #tpu.memory_space<vmem>>
    %dma_wait3A_61 = arith.constant 0 : i32
    %dma_wait3A_62 = tpu.memref_slice %arg4[%multiple_of3A_5, %dma_wait3A_61] : memref<327680x128xf32, #tpu.memory_space<hbm>> -> memref<40x128xf32, #tpu.memory_space<hbm>>
    %dma_wait3A_63 = tpu.memref_slice %arg9[%dma_wait3A_56] : memref<5x!tpu.dma_semaphore, #tpu.memory_space<semaphore_mem>> -> memref<1x!tpu.dma_semaphore, #tpu.memory_space<semaphore_mem>>
    %dma_wait3A_64 = tpu.memref_squeeze %dma_wait3A_63 : memref<1x!tpu.dma_semaphore, #tpu.memory_space<semaphore_mem>> -> memref<!tpu.dma_semaphore, #tpu.memory_space<semaphore_mem>>
    %dma_wait3A_65 = arith.constant 0 : i32
    %dma_wait3A_66 = tpu.memref_slice %arg4[%multiple_of3A_5, %dma_wait3A_65] : memref<327680x128xf32, #tpu.memory_space<hbm>> -> memref<40x128xf32, #tpu.memory_space<hbm>>
    %dma_wait3A_67 = arith.constant 0 : i32
    %dma_wait3A_68 = arith.constant 0 : i32
    %dma_wait3A_69 = tpu.memref_slice %arg7[%dma_wait3A_55, %dma_wait3A_67, %dma_wait3A_68] : memref<5x40x128xf32, #tpu.memory_space<vmem>> -> memref<1x40x128xf32, #tpu.memory_space<vmem>>
    %dma_wait3A_70 = tpu.memref_squeeze %dma_wait3A_69 : memref<1x40x128xf32, #tpu.memory_space<vmem>> -> memref<40x128xf32, #tpu.memory_space<vmem>>
    tpu.wait_dma2 semaphore(%dma_wait3A_64 : memref<!tpu.dma_semaphore, #tpu.memory_space<semaphore_mem>>) src(%dma_wait3A_70 : memref<40x128xf32, #tpu.memory_space<vmem>>) dst(%dma_wait3A_66 : memref<40x128xf32, #tpu.memory_space<hbm>>)
    %dma_wait3A_71 = arith.constant 2 : i32
    %dma_wait3A_72 = arith.constant 2 : i32
    %dma_wait3A_73 = arith.constant 0 : i32
    %dma_wait3A_74 = arith.constant 0 : i32
    %dma_wait3A_75 = tpu.memref_slice %arg7[%dma_wait3A_71, %dma_wait3A_73, %dma_wait3A_74] : memref<5x40x128xf32, #tpu.memory_space<vmem>> -> memref<1x40x128xf32, #tpu.memory_space<vmem>>
    %dma_wait3A_76 = tpu.memref_squeeze %dma_wait3A_75 : memref<1x40x128xf32, #tpu.memory_space<vmem>> -> memref<40x128xf32, #tpu.memory_space<vmem>>
    %dma_wait3A_77 = arith.constant 0 : i32
    %dma_wait3A_78 = tpu.memref_slice %arg4[%multiple_of3A_5, %dma_wait3A_77] : memref<327680x128xf32, #tpu.memory_space<hbm>> -> memref<40x128xf32, #tpu.memory_space<hbm>>
    %dma_wait3A_79 = tpu.memref_slice %arg9[%dma_wait3A_72] : memref<5x!tpu.dma_semaphore, #tpu.memory_space<semaphore_mem>> -> memref<1x!tpu.dma_semaphore, #tpu.memory_space<semaphore_mem>>
    %dma_wait3A_80 = tpu.memref_squeeze %dma_wait3A_79 : memref<1x!tpu.dma_semaphore, #tpu.memory_space<semaphore_mem>> -> memref<!tpu.dma_semaphore, #tpu.memory_space<semaphore_mem>>
    %dma_wait3A_81 = arith.constant 0 : i32
    %dma_wait3A_82 = tpu.memref_slice %arg4[%multiple_of3A_5, %dma_wait3A_81] : memref<327680x128xf32, #tpu.memory_space<hbm>> -> memref<40x128xf32, #tpu.memory_space<hbm>>
    %dma_wait3A_83 = arith.constant 0 : i32
    %dma_wait3A_84 = arith.constant 0 : i32
    %dma_wait3A_85 = tpu.memref_slice %arg7[%dma_wait3A_71, %dma_wait3A_83, %dma_wait3A_84] : memref<5x40x128xf32, #tpu.memory_space<vmem>> -> memref<1x40x128xf32, #tpu.memory_space<vmem>>
    %dma_wait3A_86 = tpu.memref_squeeze %dma_wait3A_85 : memref<1x40x128xf32, #tpu.memory_space<vmem>> -> memref<40x128xf32, #tpu.memory_space<vmem>>
    tpu.wait_dma2 semaphore(%dma_wait3A_80 : memref<!tpu.dma_semaphore, #tpu.memory_space<semaphore_mem>>) src(%dma_wait3A_86 : memref<40x128xf32, #tpu.memory_space<vmem>>) dst(%dma_wait3A_82 : memref<40x128xf32, #tpu.memory_space<hbm>>)
    %dma_wait3A_87 = arith.constant 3 : i32
    %dma_wait3A_88 = arith.constant 3 : i32
    %dma_wait3A_89 = arith.constant 0 : i32
    %dma_wait3A_90 = arith.constant 0 : i32
    %dma_wait3A_91 = tpu.memref_slice %arg7[%dma_wait3A_87, %dma_wait3A_89, %dma_wait3A_90] : memref<5x40x128xf32, #tpu.memory_space<vmem>> -> memref<1x40x128xf32, #tpu.memory_space<vmem>>
    %dma_wait3A_92 = tpu.memref_squeeze %dma_wait3A_91 : memref<1x40x128xf32, #tpu.memory_space<vmem>> -> memref<40x128xf32, #tpu.memory_space<vmem>>
    %dma_wait3A_93 = arith.constant 0 : i32
    %dma_wait3A_94 = tpu.memref_slice %arg4[%multiple_of3A_5, %dma_wait3A_93] : memref<327680x128xf32, #tpu.memory_space<hbm>> -> memref<40x128xf32, #tpu.memory_space<hbm>>
    %dma_wait3A_95 = tpu.memref_slice %arg9[%dma_wait3A_88] : memref<5x!tpu.dma_semaphore, #tpu.memory_space<semaphore_mem>> -> memref<1x!tpu.dma_semaphore, #tpu.memory_space<semaphore_mem>>
    %dma_wait3A_96 = tpu.memref_squeeze %dma_wait3A_95 : memref<1x!tpu.dma_semaphore, #tpu.memory_space<semaphore_mem>> -> memref<!tpu.dma_semaphore, #tpu.memory_space<semaphore_mem>>
    %dma_wait3A_97 = arith.constant 0 : i32
    %dma_wait3A_98 = tpu.memref_slice %arg4[%multiple_of3A_5, %dma_wait3A_97] : memref<327680x128xf32, #tpu.memory_space<hbm>> -> memref<40x128xf32, #tpu.memory_space<hbm>>
    %dma_wait3A_99 = arith.constant 0 : i32
    %dma_wait3A_100 = arith.constant 0 : i32
    %dma_wait3A_101 = tpu.memref_slice %arg7[%dma_wait3A_87, %dma_wait3A_99, %dma_wait3A_100] : memref<5x40x128xf32, #tpu.memory_space<vmem>> -> memref<1x40x128xf32, #tpu.memory_space<vmem>>
    %dma_wait3A_102 = tpu.memref_squeeze %dma_wait3A_101 : memref<1x40x128xf32, #tpu.memory_space<vmem>> -> memref<40x128xf32, #tpu.memory_space<vmem>>
    tpu.wait_dma2 semaphore(%dma_wait3A_96 : memref<!tpu.dma_semaphore, #tpu.memory_space<semaphore_mem>>) src(%dma_wait3A_102 : memref<40x128xf32, #tpu.memory_space<vmem>>) dst(%dma_wait3A_98 : memref<40x128xf32, #tpu.memory_space<hbm>>)
    %dma_wait3A_103 = arith.constant 4 : i32
    %dma_wait3A_104 = arith.constant 4 : i32
    %dma_wait3A_105 = arith.constant 0 : i32
    %dma_wait3A_106 = arith.constant 0 : i32
    %dma_wait3A_107 = tpu.memref_slice %arg7[%dma_wait3A_103, %dma_wait3A_105, %dma_wait3A_106] : memref<5x40x128xf32, #tpu.memory_space<vmem>> -> memref<1x40x128xf32, #tpu.memory_space<vmem>>
    %dma_wait3A_108 = tpu.memref_squeeze %dma_wait3A_107 : memref<1x40x128xf32, #tpu.memory_space<vmem>> -> memref<40x128xf32, #tpu.memory_space<vmem>>
    %dma_wait3A_109 = arith.constant 0 : i32
    %dma_wait3A_110 = tpu.memref_slice %arg4[%multiple_of3A_5, %dma_wait3A_109] : memref<327680x128xf32, #tpu.memory_space<hbm>> -> memref<40x128xf32, #tpu.memory_space<hbm>>
    %dma_wait3A_111 = tpu.memref_slice %arg9[%dma_wait3A_104] : memref<5x!tpu.dma_semaphore, #tpu.memory_space<semaphore_mem>> -> memref<1x!tpu.dma_semaphore, #tpu.memory_space<semaphore_mem>>
    %dma_wait3A_112 = tpu.memref_squeeze %dma_wait3A_111 : memref<1x!tpu.dma_semaphore, #tpu.memory_space<semaphore_mem>> -> memref<!tpu.dma_semaphore, #tpu.memory_space<semaphore_mem>>
    %dma_wait3A_113 = arith.constant 0 : i32
    %dma_wait3A_114 = tpu.memref_slice %arg4[%multiple_of3A_5, %dma_wait3A_113] : memref<327680x128xf32, #tpu.memory_space<hbm>> -> memref<40x128xf32, #tpu.memory_space<hbm>>
    %dma_wait3A_115 = arith.constant 0 : i32
    %dma_wait3A_116 = arith.constant 0 : i32
    %dma_wait3A_117 = tpu.memref_slice %arg7[%dma_wait3A_103, %dma_wait3A_115, %dma_wait3A_116] : memref<5x40x128xf32, #tpu.memory_space<vmem>> -> memref<1x40x128xf32, #tpu.memory_space<vmem>>
    %dma_wait3A_118 = tpu.memref_squeeze %dma_wait3A_117 : memref<1x40x128xf32, #tpu.memory_space<vmem>> -> memref<40x128xf32, #tpu.memory_space<vmem>>
    tpu.wait_dma2 semaphore(%dma_wait3A_112 : memref<!tpu.dma_semaphore, #tpu.memory_space<semaphore_mem>>) src(%dma_wait3A_118 : memref<40x128xf32, #tpu.memory_space<vmem>>) dst(%dma_wait3A_114 : memref<40x128xf32, #tpu.memory_space<hbm>>)
    return
  }
}

module attributes {stable_mosaic.version = 14 : i64} {
  func.func @body(%arg0: i32, %arg1: memref<32x512x128xf32, #tpu.memory_space<vmem>>, %arg2: memref<32x16x512xf32, #tpu.memory_space<vmem>>, %arg3: memref<512x128xf32, #tpu.memory_space<vmem>>, %arg4: memref<128x256xf32, #tpu.memory_space<vmem>>, %arg5: memref<128x256xbf16, #tpu.memory_space<vmem>>, %arg6: memref<16x256xf32, #tpu.memory_space<vmem>>, %arg7: memref<1x256xf32, #tpu.memory_space<vmem>>, %arg8: memref<8x256xf32, #tpu.memory_space<vmem>>) attributes {dimension_semantics = [#tpu.dimension_semantics<arbitrary>], iteration_bounds = array<i64: 20>, scalar_prefetch = 0 : i64, scratch_operands = 0 : i64, tpu.core_type = #tpu.core_type<tc>, window_params = [{transform_indices = @transform_0, window_bounds = array<i64: 32, 512, 128>}, {transform_indices = @transform_1, window_bounds = array<i64: 32, 16, 512>}, {transform_indices = @transform_2, window_bounds = array<i64: 512, 128>}, {pipeline_mode = #tpu.pipeline_mode<synchronous>, transform_indices = @transform_3, window_bounds = array<i64: 128, 256>}, {pipeline_mode = #tpu.pipeline_mode<synchronous>, transform_indices = @transform_4, window_bounds = array<i64: 128, 256>}, {pipeline_mode = #tpu.pipeline_mode<synchronous>, transform_indices = @transform_5, window_bounds = array<i64: 16, 256>}, {pipeline_mode = #tpu.pipeline_mode<synchronous>, transform_indices = @transform_6, window_bounds = array<i64: 1, 256>}, {pipeline_mode = #tpu.pipeline_mode<synchronous>, transform_indices = @transform_7, window_bounds = array<i64: 8, 256>}]} {
    %eq3A = arith.constant 0 : i32
    %eq3A_0 = arith.cmpi eq, %arg0, %eq3A : i32
    %convert_element_type3A = arith.extui %eq3A_0 : i1 to i32
    %cond3A = arith.constant 0 : i32
    %cond3A_1 = arith.cmpi ne, %convert_element_type3A, %cond3A : i32
    scf.if %cond3A_1 {
      %broadcast_in_dim3A_62 = arith.constant 0.000000e+00 : f32
      %broadcast_in_dim3A_63 = vector.broadcast %broadcast_in_dim3A_62 : f32 to vector<8x256xf32>
      %swap3A_64 = arith.constant 0 : index
      %swap3A_65 = arith.constant 0 : index
      %swap3A_66 = vector.load %arg8[%swap3A_64, %swap3A_65] : memref<8x256xf32, #tpu.memory_space<vmem>>, vector<8x256xf32>
      tpu.vector_store %arg8[%swap3A_64, %swap3A_65], %broadcast_in_dim3A_63 {strides = array<i32>} : memref<8x256xf32, #tpu.memory_space<vmem>>, vector<8x256xf32>,
    } else {
    }
    %get3A = arith.constant 0 : index
    %get3A_2 = arith.constant 0 : index
    %get3A_3 = vector.load %arg3[%get3A, %get3A_2] : memref<512x128xf32, #tpu.memory_space<vmem>>, vector<512x128xf32>
    %get3A_4 = arith.constant 0 : index
    %get3A_5 = arith.constant 0 : index
    %get3A_6 = vector.load %arg4[%get3A_4, %get3A_5] : memref<128x256xf32, #tpu.memory_space<vmem>>, vector<128x256xf32>
    %dot_general3A = arith.constant dense<0.000000e+00> : vector<512x256xf32>
    %dot_general3A_7 = tpu.matmul %get3A_3, %get3A_6, %dot_general3A {dimension_numbers = #tpu.dot_dimension_numbers<[1], [0], [0], [1], [0, 0, 1, 1], [], []>, transpose_lhs_hint = false} : vector<512x128xf32>, vector<128x256xf32>, vector<512x256xf32> -> vector<512x256xf32>
    %get3A_8 = arith.constant 0 : index
    %get3A_9 = arith.constant 0 : index
    %get3A_10 = vector.load %arg7[%get3A_8, %get3A_9] : memref<1x256xf32, #tpu.memory_space<vmem>>, vector<1x256xf32>
    %add3A = vector.broadcast %get3A_10 : vector<1x256xf32> to vector<512x256xf32>
    %add3A_11 = arith.addf %dot_general3A_7, %add3A : vector<512x256xf32>
    %get3A_12 = arith.constant 0 : index
    %get3A_13 = arith.constant 0 : index
    %get3A_14 = arith.constant 0 : index
    %get3A_15 = vector.load %arg1[%get3A_12, %get3A_13, %get3A_14] : memref<32x512x128xf32, #tpu.memory_space<vmem>>, vector<32x512x128xf32>
    %reshape3A = vector.shape_cast %get3A_15 : vector<32x512x128xf32> to vector<16384x128xf32>
    %convert_element_type3A_16 = arith.truncf %reshape3A : vector<16384x128xf32> to vector<16384x128xbf16>
    %get3A_17 = arith.constant 0 : index
    %get3A_18 = arith.constant 0 : index
    %get3A_19 = vector.load %arg5[%get3A_17, %get3A_18] : memref<128x256xbf16, #tpu.memory_space<vmem>>, vector<128x256xbf16>
    %dot_general3A_20 = arith.constant dense<0.000000e+00> : vector<16384x256xf32>
    %dot_general3A_21 = tpu.matmul %convert_element_type3A_16, %get3A_19, %dot_general3A_20 {dimension_numbers = #tpu.dot_dimension_numbers<[1], [0], [0], [1], [0, 0, 1, 1], [], []>, transpose_lhs_hint = false} : vector<16384x128xbf16>, vector<128x256xbf16>, vector<16384x256xf32> -> vector<16384x256xf32>
    %reshape3A_22 = vector.shape_cast %dot_general3A_21 : vector<16384x256xf32> to vector<32x512x256xf32>
    %get3A_23 = arith.constant 0 : index
    %get3A_24 = arith.constant 0 : index
    %get3A_25 = arith.constant 0 : index
    %get3A_26 = vector.load %arg2[%get3A_23, %get3A_24, %get3A_25] : memref<32x16x512xf32, #tpu.memory_space<vmem>>, vector<32x16x512xf32>
    %get3A_27 = arith.constant 0 : index
    %get3A_28 = arith.constant 0 : index
    %get3A_29 = vector.load %arg6[%get3A_27, %get3A_28] : memref<16x256xf32, #tpu.memory_space<vmem>>, vector<16x256xf32>
    %dot_general3A_30 = arith.constant dense<0.000000e+00> : vector<32x512x256xf32>
    %dot_general3A_31 = tpu.matmul %get3A_26, %get3A_29, %dot_general3A_30 {dimension_numbers = #tpu.dot_dimension_numbers<[1], [0], [0, 2], [1], [0, 0, 0, 2, 1, 1], [], []>, transpose_lhs_hint = false} : vector<32x16x512xf32>, vector<16x256xf32>, vector<32x512x256xf32> -> vector<32x512x256xf32>
    %broadcast_in_dim3A = vector.shape_cast %add3A_11 : vector<512x256xf32> to vector<1x512x256xf32>
    %add3A_32 = vector.broadcast %broadcast_in_dim3A : vector<1x512x256xf32> to vector<32x512x256xf32>
    %add3A_33 = arith.addf %reshape3A_22, %add3A_32 : vector<32x512x256xf32>
    %add3A_34 = arith.addf %add3A_33, %dot_general3A_31 : vector<32x512x256xf32>
    %mul3A = arith.constant 512 : i32
    %mul3A_35 = arith.muli %arg0, %mul3A : i32
    %iota3A = tpu.iota {dimensions = array<i32: 1>} : vector<1x512x1xi32>
    %add3A_36 = vector.broadcast %mul3A_35 : i32 to vector<1x512x1xi32>
    %add3A_37 = arith.addi %add3A_36, %iota3A : vector<1x512x1xi32>
    %lt3A = arith.constant 10000 : i32
    %lt3A_38 = vector.broadcast %lt3A : i32 to vector<1x512x1xi32>
    %lt3A_39 = arith.cmpi slt, %add3A_37, %lt3A_38 : vector<1x512x1xi32>
    %jit3A = arith.constant 0.000000e+00 : f32
    %broadcast_in_dim3A_40 = vector.shape_cast %lt3A_39 : vector<1x512x1xi1> to vector<1x512x1xi1>
    %broadcast_in_dim3A_41 = vector.broadcast %broadcast_in_dim3A_40 : vector<1x512x1xi1> to vector<32x512x256xi1>
    %broadcast_in_dim3A_42 = vector.broadcast %jit3A : f32 to vector<32x512x256xf32>
    %select_n3A = arith.select %broadcast_in_dim3A_41, %add3A_34, %broadcast_in_dim3A_42 : vector<32x512x256xi1>, vector<32x512x256xf32>
    %get3A_43 = arith.constant 0 : index
    %get3A_44 = arith.constant 0 : index
    %get3A_45 = vector.load %arg8[%get3A_43, %get3A_44] : memref<8x256xf32, #tpu.memory_space<vmem>>, vector<1x256xf32>
    %reduce_sum3A = arith.constant dense<0.000000e+00> : vector<256xf32>
    %reduce_sum3A_46 = vector.multi_reduction <add>, %select_n3A, %reduce_sum3A [0, 1] : vector<32x512x256xf32> to vector<256xf32>
    %reshape3A_47 = vector.shape_cast %reduce_sum3A_46 : vector<256xf32> to vector<1x256xf32>
    %add3A_48 = arith.addf %get3A_45, %reshape3A_47 : vector<1x256xf32>
    %swap3A = arith.constant 0 : index
    %swap3A_49 = arith.constant 0 : index
    %swap3A_50 = vector.load %arg8[%swap3A, %swap3A_49] : memref<8x256xf32, #tpu.memory_space<vmem>>, vector<1x256xf32>
    tpu.vector_store %arg8[%swap3A, %swap3A_49], %add3A_48 {strides = array<i32>} : memref<8x256xf32, #tpu.memory_space<vmem>>, vector<1x256xf32>,
    %get3A_51 = arith.constant 1 : index
    %get3A_52 = arith.constant 0 : index
    %get3A_53 = vector.load %arg8[%get3A_51, %get3A_52] : memref<8x256xf32, #tpu.memory_space<vmem>>, vector<1x256xf32>
    %mul3A_54 = arith.mulf %select_n3A, %select_n3A : vector<32x512x256xf32>
    %reduce_sum3A_55 = arith.constant dense<0.000000e+00> : vector<256xf32>
    %reduce_sum3A_56 = vector.multi_reduction <add>, %mul3A_54, %reduce_sum3A_55 [0, 1] : vector<32x512x256xf32> to vector<256xf32>
    %reshape3A_57 = vector.shape_cast %reduce_sum3A_56 : vector<256xf32> to vector<1x256xf32>
    %add3A_58 = arith.addf %get3A_53, %reshape3A_57 : vector<1x256xf32>
    %swap3A_59 = arith.constant 1 : index
    %swap3A_60 = arith.constant 0 : index
    %swap3A_61 = vector.load %arg8[%swap3A_59, %swap3A_60] : memref<8x256xf32, #tpu.memory_space<vmem>>, vector<1x256xf32>
    tpu.vector_store %arg8[%swap3A_59, %swap3A_60], %add3A_58 {strides = array<i32>} : memref<8x256xf32, #tpu.memory_space<vmem>>, vector<1x256xf32>,
    return
  }
  func.func @transform_0(%arg0: i32) -> (i32, i32, i32) {
    %c0_i32 = arith.constant 0 : i32
    %c0_i32_0 = arith.constant 0 : i32
    %c0_i32_1 = arith.constant 0 : i32
    return %c0_i32, %arg0, %c0_i32_0 : i32, i32, i32
  }
  func.func @transform_1(%arg0: i32) -> (i32, i32, i32) {
    %c0_i32 = arith.constant 0 : i32
    %c0_i32_0 = arith.constant 0 : i32
    %c0_i32_1 = arith.constant 0 : i32
    return %c0_i32, %c0_i32_0, %arg0 : i32, i32, i32
  }
  func.func @transform_2(%arg0: i32) -> (i32, i32) {
    %c0_i32 = arith.constant 0 : i32
    %c0_i32_0 = arith.constant 0 : i32
    return %arg0, %c0_i32 : i32, i32
  }
  func.func @transform_3(%arg0: i32) -> (i32, i32) {
    %c0_i32 = arith.constant 0 : i32
    %c0_i32_0 = arith.constant 0 : i32
    %c0_i32_1 = arith.constant 0 : i32
    return %c0_i32, %c0_i32_0 : i32, i32
  }
  func.func @transform_4(%arg0: i32) -> (i32, i32) {
    %c0_i32 = arith.constant 0 : i32
    %c0_i32_0 = arith.constant 0 : i32
    %c0_i32_1 = arith.constant 0 : i32
    return %c0_i32, %c0_i32_0 : i32, i32
  }
  func.func @transform_5(%arg0: i32) -> (i32, i32) {
    %c0_i32 = arith.constant 0 : i32
    %c0_i32_0 = arith.constant 0 : i32
    %c0_i32_1 = arith.constant 0 : i32
    return %c0_i32, %c0_i32_0 : i32, i32
  }
  func.func @transform_6(%arg0: i32) -> (i32, i32) {
    %c0_i32 = arith.constant 0 : i32
    %c0_i32_0 = arith.constant 0 : i32
    %c0_i32_1 = arith.constant 0 : i32
    return %c0_i32, %c0_i32_0 : i32, i32
  }
  func.func @transform_7(%arg0: i32) -> (i32, i32) {
    %c0_i32 = arith.constant 0 : i32
    %c0_i32_0 = arith.constant 0 : i32
    %c0_i32_1 = arith.constant 0 : i32
    return %c0_i32, %c0_i32_0 : i32, i32
  }
}

module attributes {stable_mosaic.version = 14 : i64} {
  func.func @body(%arg0: i32, %arg1: memref<32x512x128xf32, #tpu.memory_space<vmem>>, %arg2: memref<32x16x512xf32, #tpu.memory_space<vmem>>, %arg3: memref<512x128xf32, #tpu.memory_space<vmem>>, %arg4: memref<128x256xf32, #tpu.memory_space<vmem>>, %arg5: memref<128x256xbf16, #tpu.memory_space<vmem>>, %arg6: memref<16x256xf32, #tpu.memory_space<vmem>>, %arg7: memref<1x256xf32, #tpu.memory_space<vmem>>, %arg8: memref<8x256xf32, #tpu.memory_space<vmem>>, %arg9: memref<1x256xf32, #tpu.memory_space<vmem>>, %arg10: memref<1x256xf32, #tpu.memory_space<vmem>>, %arg11: memref<512x128xf32, #tpu.memory_space<vmem>>, %arg12: memref<8x128xf32, #tpu.memory_space<vmem>>) attributes {dimension_semantics = [#tpu.dimension_semantics<arbitrary>], iteration_bounds = array<i64: 20>, scalar_prefetch = 0 : i64, scratch_operands = 0 : i64, tpu.core_type = #tpu.core_type<tc>, window_params = [{transform_indices = @transform_0, window_bounds = array<i64: 32, 512, 128>}, {transform_indices = @transform_1, window_bounds = array<i64: 32, 16, 512>}, {transform_indices = @transform_2, window_bounds = array<i64: 512, 128>}, {pipeline_mode = #tpu.pipeline_mode<synchronous>, transform_indices = @transform_3, window_bounds = array<i64: 128, 256>}, {pipeline_mode = #tpu.pipeline_mode<synchronous>, transform_indices = @transform_4, window_bounds = array<i64: 128, 256>}, {pipeline_mode = #tpu.pipeline_mode<synchronous>, transform_indices = @transform_5, window_bounds = array<i64: 16, 256>}, {pipeline_mode = #tpu.pipeline_mode<synchronous>, transform_indices = @transform_6, window_bounds = array<i64: 1, 256>}, {pipeline_mode = #tpu.pipeline_mode<synchronous>, transform_indices = @transform_7, window_bounds = array<i64: 8, 256>}, {pipeline_mode = #tpu.pipeline_mode<synchronous>, transform_indices = @transform_8, window_bounds = array<i64: 1, 256>}, {pipeline_mode = #tpu.pipeline_mode<synchronous>, transform_indices = @transform_9, window_bounds = array<i64: 1, 256>}, {transform_indices = @transform_10, window_bounds = array<i64: 512, 128>}, {pipeline_mode = #tpu.pipeline_mode<synchronous>, transform_indices = @transform_11, window_bounds = array<i64: 8, 128>}]} {
    %eq3A = arith.constant 0 : i32
    %eq3A_0 = arith.cmpi eq, %arg0, %eq3A : i32
    %convert_element_type3A = arith.extui %eq3A_0 : i1 to i32
    %cond3A = arith.constant 0 : i32
    %cond3A_1 = arith.cmpi ne, %convert_element_type3A, %cond3A : i32
    scf.if %cond3A_1 {
      %broadcast_in_dim3A_132 = arith.constant 0.000000e+00 : f32
      %broadcast_in_dim3A_133 = vector.broadcast %broadcast_in_dim3A_132 : f32 to vector<8x128xf32>
      %swap3A_134 = arith.constant 0 : index
      %swap3A_135 = arith.constant 0 : index
      %swap3A_136 = vector.load %arg12[%swap3A_134, %swap3A_135] : memref<8x128xf32, #tpu.memory_space<vmem>>, vector<8x128xf32>
      tpu.vector_store %arg12[%swap3A_134, %swap3A_135], %broadcast_in_dim3A_133 {strides = array<i32>} : memref<8x128xf32, #tpu.memory_space<vmem>>, vector<8x128xf32>,
    } else {
    }
    %get3A = arith.constant 0 : index
    %get3A_2 = arith.constant 0 : index
    %get3A_3 = vector.load %arg8[%get3A, %get3A_2] : memref<8x256xf32, #tpu.memory_space<vmem>>, vector<1x256xf32>
    %mul3A = arith.constant 3.125000e-06 : f32
    %mul3A_4 = vector.broadcast %mul3A : f32 to vector<1x256xf32>
    %mul3A_5 = arith.mulf %get3A_3, %mul3A_4 : vector<1x256xf32>
    %get3A_6 = arith.constant 1 : index
    %get3A_7 = arith.constant 0 : index
    %get3A_8 = vector.load %arg8[%get3A_6, %get3A_7] : memref<8x256xf32, #tpu.memory_space<vmem>>, vector<1x256xf32>
    %mul3A_9 = arith.constant 3.125000e-06 : f32
    %mul3A_10 = vector.broadcast %mul3A_9 : f32 to vector<1x256xf32>
    %mul3A_11 = arith.mulf %get3A_8, %mul3A_10 : vector<1x256xf32>
    %mul3A_12 = arith.mulf %mul3A_5, %mul3A_5 : vector<1x256xf32>
    %sub3A = arith.subf %mul3A_11, %mul3A_12 : vector<1x256xf32>
    %get3A_13 = arith.constant 0 : index
    %get3A_14 = arith.constant 0 : index
    %get3A_15 = vector.load %arg9[%get3A_13, %get3A_14] : memref<1x256xf32, #tpu.memory_space<vmem>>, vector<1x256xf32>
    %add3A = arith.constant 9.99999974E-6 : f32
    %add3A_16 = vector.broadcast %add3A : f32 to vector<1x256xf32>
    %add3A_17 = arith.addf %sub3A, %add3A_16 : vector<1x256xf32>
    %rsqrt3A = math.rsqrt %add3A_17 : vector<1x256xf32>
    %mul3A_18 = arith.mulf %get3A_15, %rsqrt3A : vector<1x256xf32>
    %get3A_19 = arith.constant 0 : index
    %get3A_20 = arith.constant 0 : index
    %get3A_21 = vector.load %arg10[%get3A_19, %get3A_20] : memref<1x256xf32, #tpu.memory_space<vmem>>, vector<1x256xf32>
    %mul3A_22 = arith.mulf %mul3A_5, %mul3A_18 : vector<1x256xf32>
    %sub3A_23 = arith.subf %get3A_21, %mul3A_22 : vector<1x256xf32>
    %get3A_24 = arith.constant 0 : index
    %get3A_25 = arith.constant 0 : index
    %get3A_26 = vector.load %arg3[%get3A_24, %get3A_25] : memref<512x128xf32, #tpu.memory_space<vmem>>, vector<512x128xf32>
    %get3A_27 = arith.constant 0 : index
    %get3A_28 = arith.constant 0 : index
    %get3A_29 = vector.load %arg4[%get3A_27, %get3A_28] : memref<128x256xf32, #tpu.memory_space<vmem>>, vector<128x256xf32>
    %dot_general3A = arith.constant dense<0.000000e+00> : vector<512x256xf32>
    %dot_general3A_30 = tpu.matmul %get3A_26, %get3A_29, %dot_general3A {dimension_numbers = #tpu.dot_dimension_numbers<[1], [0], [0], [1], [0, 0, 1, 1], [], []>, transpose_lhs_hint = false} : vector<512x128xf32>, vector<128x256xf32>, vector<512x256xf32> -> vector<512x256xf32>
    %get3A_31 = arith.constant 0 : index
    %get3A_32 = arith.constant 0 : index
    %get3A_33 = vector.load %arg7[%get3A_31, %get3A_32] : memref<1x256xf32, #tpu.memory_space<vmem>>, vector<1x256xf32>
    %add3A_34 = vector.broadcast %get3A_33 : vector<1x256xf32> to vector<512x256xf32>
    %add3A_35 = arith.addf %dot_general3A_30, %add3A_34 : vector<512x256xf32>
    %get3A_36 = arith.constant 0 : index
    %get3A_37 = arith.constant 0 : index
    %get3A_38 = arith.constant 0 : index
    %get3A_39 = vector.load %arg1[%get3A_36, %get3A_37, %get3A_38] : memref<32x512x128xf32, #tpu.memory_space<vmem>>, vector<32x512x128xf32>
    %reshape3A = vector.shape_cast %get3A_39 : vector<32x512x128xf32> to vector<16384x128xf32>
    %convert_element_type3A_40 = arith.truncf %reshape3A : vector<16384x128xf32> to vector<16384x128xbf16>
    %get3A_41 = arith.constant 0 : index
    %get3A_42 = arith.constant 0 : index
    %get3A_43 = vector.load %arg5[%get3A_41, %get3A_42] : memref<128x256xbf16, #tpu.memory_space<vmem>>, vector<128x256xbf16>
    %dot_general3A_44 = arith.constant dense<0.000000e+00> : vector<16384x256xf32>
    %dot_general3A_45 = tpu.matmul %convert_element_type3A_40, %get3A_43, %dot_general3A_44 {dimension_numbers = #tpu.dot_dimension_numbers<[1], [0], [0], [1], [0, 0, 1, 1], [], []>, transpose_lhs_hint = false} : vector<16384x128xbf16>, vector<128x256xbf16>, vector<16384x256xf32> -> vector<16384x256xf32>
    %reshape3A_46 = vector.shape_cast %dot_general3A_45 : vector<16384x256xf32> to vector<32x512x256xf32>
    %get3A_47 = arith.constant 0 : index
    %get3A_48 = arith.constant 0 : index
    %get3A_49 = arith.constant 0 : index
    %get3A_50 = vector.load %arg2[%get3A_47, %get3A_48, %get3A_49] : memref<32x16x512xf32, #tpu.memory_space<vmem>>, vector<32x16x512xf32>
    %get3A_51 = arith.constant 0 : index
    %get3A_52 = arith.constant 0 : index
    %get3A_53 = vector.load %arg6[%get3A_51, %get3A_52] : memref<16x256xf32, #tpu.memory_space<vmem>>, vector<16x256xf32>
    %dot_general3A_54 = arith.constant dense<0.000000e+00> : vector<32x512x256xf32>
    %dot_general3A_55 = tpu.matmul %get3A_50, %get3A_53, %dot_general3A_54 {dimension_numbers = #tpu.dot_dimension_numbers<[1], [0], [0, 2], [1], [0, 0, 0, 2, 1, 1], [], []>, transpose_lhs_hint = false} : vector<32x16x512xf32>, vector<16x256xf32>, vector<32x512x256xf32> -> vector<32x512x256xf32>
    %broadcast_in_dim3A = vector.shape_cast %add3A_35 : vector<512x256xf32> to vector<1x512x256xf32>
    %add3A_56 = vector.broadcast %broadcast_in_dim3A : vector<1x512x256xf32> to vector<32x512x256xf32>
    %add3A_57 = arith.addf %reshape3A_46, %add3A_56 : vector<32x512x256xf32>
    %add3A_58 = arith.addf %add3A_57, %dot_general3A_55 : vector<32x512x256xf32>
    %mul3A_59 = arith.constant 512 : i32
    %mul3A_60 = arith.muli %arg0, %mul3A_59 : i32
    %iota3A = tpu.iota {dimensions = array<i32: 1>} : vector<1x512x1xi32>
    %add3A_61 = vector.broadcast %mul3A_60 : i32 to vector<1x512x1xi32>
    %add3A_62 = arith.addi %add3A_61, %iota3A : vector<1x512x1xi32>
    %lt3A = arith.constant 10000 : i32
    %lt3A_63 = vector.broadcast %lt3A : i32 to vector<1x512x1xi32>
    %lt3A_64 = arith.cmpi slt, %add3A_62, %lt3A_63 : vector<1x512x1xi32>
    %jit3A = arith.constant 0.000000e+00 : f32
    %broadcast_in_dim3A_65 = vector.shape_cast %lt3A_64 : vector<1x512x1xi1> to vector<1x512x1xi1>
    %broadcast_in_dim3A_66 = vector.broadcast %broadcast_in_dim3A_65 : vector<1x512x1xi1> to vector<32x512x256xi1>
    %broadcast_in_dim3A_67 = vector.broadcast %jit3A : f32 to vector<32x512x256xf32>
    %select_n3A = arith.select %broadcast_in_dim3A_66, %add3A_58, %broadcast_in_dim3A_67 : vector<32x512x256xi1>, vector<32x512x256xf32>
    %broadcast_in_dim3A_68 = vector.shape_cast %mul3A_18 : vector<1x256xf32> to vector<1x1x256xf32>
    %mul3A_69 = vector.broadcast %broadcast_in_dim3A_68 : vector<1x1x256xf32> to vector<32x512x256xf32>
    %mul3A_70 = arith.mulf %select_n3A, %mul3A_69 : vector<32x512x256xf32>
    %broadcast_in_dim3A_71 = vector.shape_cast %sub3A_23 : vector<1x256xf32> to vector<1x1x256xf32>
    %add3A_72 = vector.broadcast %broadcast_in_dim3A_71 : vector<1x1x256xf32> to vector<32x512x256xf32>
    %add3A_73 = arith.addf %mul3A_70, %add3A_72 : vector<32x512x256xf32>
    %convert_element_type3A_74 = arith.truncf %add3A_73 : vector<32x512x256xf32> to vector<32x512x256xbf16>
    %slice3A = vector.extract_strided_slice %convert_element_type3A_74 {offsets = [0, 0, 0], sizes = [32, 512, 128], strides = [1, 1, 1]} : vector<32x512x256xbf16> to vector<32x512x128xbf16>
    %slice3A_75 = vector.extract_strided_slice %convert_element_type3A_74 {offsets = [0, 0, 128], sizes = [32, 512, 128], strides = [1, 1, 1]} : vector<32x512x256xbf16> to vector<32x512x128xbf16>
    %mul3A_76 = arith.constant 5.000000e-01 : bf16
    %mul3A_77 = vector.broadcast %mul3A_76 : bf16 to vector<32x512x128xbf16>
    %mul3A_78 = arith.mulf %mul3A_77, %slice3A : vector<32x512x128xbf16>
    %tanh3A = math.tanh %mul3A_78 : vector<32x512x128xbf16>
    %add3A_79 = arith.constant 1.000000e+00 : bf16
    %add3A_80 = vector.broadcast %add3A_79 : bf16 to vector<32x512x128xbf16>
    %add3A_81 = arith.addf %add3A_80, %tanh3A : vector<32x512x128xbf16>
    %mul3A_82 = arith.constant 5.000000e-01 : bf16
    %mul3A_83 = vector.broadcast %mul3A_82 : bf16 to vector<32x512x128xbf16>
    %mul3A_84 = arith.mulf %mul3A_83, %add3A_81 : vector<32x512x128xbf16>
    %max3A = arith.constant 0.000000e+00 : bf16
    %max3A_85 = vector.broadcast %max3A : bf16 to vector<32x512x128xbf16>
    %max3A_86 = arith.maximumf %slice3A_75, %max3A_85 : vector<32x512x128xbf16>
    %abs3A = math.absf %slice3A_75 : vector<32x512x128xbf16>
    %neg3A = arith.constant 0.000000e+00 : bf16
    %neg3A_87 = vector.broadcast %neg3A : bf16 to vector<32x512x128xbf16>
    %neg3A_88 = arith.subf %neg3A_87, %abs3A : vector<32x512x128xbf16>
    %exp3A = math.exp %neg3A_88 : vector<32x512x128xbf16>
    %add3A_89 = arith.constant 1.000000e+00 : bf16
    %add3A_90 = vector.broadcast %add3A_89 : bf16 to vector<32x512x128xbf16>
    %add3A_91 = arith.addf %add3A_90, %exp3A : vector<32x512x128xbf16>
    %log3A = math.log %add3A_91 : vector<32x512x128xbf16>
    %add3A_92 = arith.addf %max3A_86, %log3A : vector<32x512x128xbf16>
    %mul3A_93 = arith.mulf %mul3A_84, %add3A_92 : vector<32x512x128xbf16>
    %convert_element_type3A_94 = arith.extf %mul3A_93 : vector<32x512x128xbf16> to vector<32x512x128xf32>
    %reduce_sum3A = arith.constant dense<0.000000e+00> : vector<512x128xf32>
    %reduce_sum3A_95 = vector.multi_reduction <add>, %convert_element_type3A_94, %reduce_sum3A [0] : vector<32x512x128xf32> to vector<512x128xf32>
    %mul3A_96 = arith.constant 512 : i32
    %mul3A_97 = arith.muli %arg0, %mul3A_96 : i32
    %iota3A_98 = tpu.iota {dimensions = array<i32: 0>} : vector<512x1xi32>
    %add3A_99 = vector.broadcast %mul3A_97 : i32 to vector<512x1xi32>
    %add3A_100 = arith.addi %add3A_99, %iota3A_98 : vector<512x1xi32>
    %lt3A_101 = arith.constant 10000 : i32
    %lt3A_102 = vector.broadcast %lt3A_101 : i32 to vector<512x1xi32>
    %lt3A_103 = arith.cmpi slt, %add3A_100, %lt3A_102 : vector<512x1xi32>
    %jit3A_104 = arith.constant 0.000000e+00 : f32
    %broadcast_in_dim3A_105 = vector.shape_cast %lt3A_103 : vector<512x1xi1> to vector<512x1xi1>
    %broadcast_in_dim3A_106 = vector.broadcast %broadcast_in_dim3A_105 : vector<512x1xi1> to vector<512x128xi1>
    %broadcast_in_dim3A_107 = vector.broadcast %jit3A_104 : f32 to vector<512x128xf32>
    %select_n3A_108 = arith.select %broadcast_in_dim3A_106, %reduce_sum3A_95, %broadcast_in_dim3A_107 : vector<512x128xi1>, vector<512x128xf32>
    %swap3A = arith.constant 0 : index
    %swap3A_109 = arith.constant 0 : index
    %swap3A_110 = vector.load %arg11[%swap3A, %swap3A_109] : memref<512x128xf32, #tpu.memory_space<vmem>>, vector<512x128xf32>
    tpu.vector_store %arg11[%swap3A, %swap3A_109], %select_n3A_108 {strides = array<i32>} : memref<512x128xf32, #tpu.memory_space<vmem>>, vector<512x128xf32>,
    %get3A_111 = arith.constant 0 : index
    %get3A_112 = arith.constant 0 : index
    %get3A_113 = vector.load %arg12[%get3A_111, %get3A_112] : memref<8x128xf32, #tpu.memory_space<vmem>>, vector<1x128xf32>
    %reduce_sum3A_114 = arith.constant dense<0.000000e+00> : vector<128xf32>
    %reduce_sum3A_115 = vector.multi_reduction <add>, %select_n3A_108, %reduce_sum3A_114 [0] : vector<512x128xf32> to vector<128xf32>
    %reshape3A_116 = vector.shape_cast %reduce_sum3A_115 : vector<128xf32> to vector<1x128xf32>
    %add3A_117 = arith.addf %get3A_113, %reshape3A_116 : vector<1x128xf32>
    %swap3A_118 = arith.constant 0 : index
    %swap3A_119 = arith.constant 0 : index
    %swap3A_120 = vector.load %arg12[%swap3A_118, %swap3A_119] : memref<8x128xf32, #tpu.memory_space<vmem>>, vector<1x128xf32>
    tpu.vector_store %arg12[%swap3A_118, %swap3A_119], %add3A_117 {strides = array<i32>} : memref<8x128xf32, #tpu.memory_space<vmem>>, vector<1x128xf32>,
    %get3A_121 = arith.constant 1 : index
    %get3A_122 = arith.constant 0 : index
    %get3A_123 = vector.load %arg12[%get3A_121, %get3A_122] : memref<8x128xf32, #tpu.memory_space<vmem>>, vector<1x128xf32>
    %mul3A_124 = arith.mulf %select_n3A_108, %select_n3A_108 : vector<512x128xf32>
    %reduce_sum3A_125 = arith.constant dense<0.000000e+00> : vector<128xf32>
    %reduce_sum3A_126 = vector.multi_reduction <add>, %mul3A_124, %reduce_sum3A_125 [0] : vector<512x128xf32> to vector<128xf32>
    %reshape3A_127 = vector.shape_cast %reduce_sum3A_126 : vector<128xf32> to vector<1x128xf32>
    %add3A_128 = arith.addf %get3A_123, %reshape3A_127 : vector<1x128xf32>
    %swap3A_129 = arith.constant 1 : index
    %swap3A_130 = arith.constant 0 : index
    %swap3A_131 = vector.load %arg12[%swap3A_129, %swap3A_130] : memref<8x128xf32, #tpu.memory_space<vmem>>, vector<1x128xf32>
    tpu.vector_store %arg12[%swap3A_129, %swap3A_130], %add3A_128 {strides = array<i32>} : memref<8x128xf32, #tpu.memory_space<vmem>>, vector<1x128xf32>,
    return
  }
  func.func @transform_0(%arg0: i32) -> (i32, i32, i32) {
    %c0_i32 = arith.constant 0 : i32
    %c0_i32_0 = arith.constant 0 : i32
    %c0_i32_1 = arith.constant 0 : i32
    return %c0_i32, %arg0, %c0_i32_0 : i32, i32, i32
  }
  func.func @transform_1(%arg0: i32) -> (i32, i32, i32) {
    %c0_i32 = arith.constant 0 : i32
    %c0_i32_0 = arith.constant 0 : i32
    %c0_i32_1 = arith.constant 0 : i32
    return %c0_i32, %c0_i32_0, %arg0 : i32, i32, i32
  }
  func.func @transform_2(%arg0: i32) -> (i32, i32) {
    %c0_i32 = arith.constant 0 : i32
    %c0_i32_0 = arith.constant 0 : i32
    return %arg0, %c0_i32 : i32, i32
  }
  func.func @transform_3(%arg0: i32) -> (i32, i32) {
    %c0_i32 = arith.constant 0 : i32
    %c0_i32_0 = arith.constant 0 : i32
    %c0_i32_1 = arith.constant 0 : i32
    return %c0_i32, %c0_i32_0 : i32, i32
  }
  func.func @transform_4(%arg0: i32) -> (i32, i32) {
    %c0_i32 = arith.constant 0 : i32
    %c0_i32_0 = arith.constant 0 : i32
    %c0_i32_1 = arith.constant 0 : i32
    return %c0_i32, %c0_i32_0 : i32, i32
  }
  func.func @transform_5(%arg0: i32) -> (i32, i32) {
    %c0_i32 = arith.constant 0 : i32
    %c0_i32_0 = arith.constant 0 : i32
    %c0_i32_1 = arith.constant 0 : i32
    return %c0_i32, %c0_i32_0 : i32, i32
  }
  func.func @transform_6(%arg0: i32) -> (i32, i32) {
    %c0_i32 = arith.constant 0 : i32
    %c0_i32_0 = arith.constant 0 : i32
    %c0_i32_1 = arith.constant 0 : i32
    return %c0_i32, %c0_i32_0 : i32, i32
  }
  func.func @transform_7(%arg0: i32) -> (i32, i32) {
    %c0_i32 = arith.constant 0 : i32
    %c0_i32_0 = arith.constant 0 : i32
    %c0_i32_1 = arith.constant 0 : i32
    return %c0_i32, %c0_i32_0 : i32, i32
  }
  func.func @transform_8(%arg0: i32) -> (i32, i32) {
    %c0_i32 = arith.constant 0 : i32
    %c0_i32_0 = arith.constant 0 : i32
    %c0_i32_1 = arith.constant 0 : i32
    return %c0_i32, %c0_i32_0 : i32, i32
  }
  func.func @transform_9(%arg0: i32) -> (i32, i32) {
    %c0_i32 = arith.constant 0 : i32
    %c0_i32_0 = arith.constant 0 : i32
    %c0_i32_1 = arith.constant 0 : i32
    return %c0_i32, %c0_i32_0 : i32, i32
  }
  func.func @transform_10(%arg0: i32) -> (i32, i32) {
    %c0_i32 = arith.constant 0 : i32
    %c0_i32_0 = arith.constant 0 : i32
    return %arg0, %c0_i32 : i32, i32
  }
  func.func @transform_11(%arg0: i32) -> (i32, i32) {
    %c0_i32 = arith.constant 0 : i32
    %c0_i32_0 = arith.constant 0 : i32
    %c0_i32_1 = arith.constant 0 : i32
    return %c0_i32, %c0_i32_0 : i32, i32
  }
}

module attributes {stable_mosaic.version = 14 : i64} {
  func.func @body(%arg0: memref<10240x128xf32, #tpu.memory_space<vmem>>, %arg1: memref<10240x128xf32, #tpu.memory_space<vmem>>, %arg2: memref<8x128xf32, #tpu.memory_space<vmem>>, %arg3: memref<1x128xf32, #tpu.memory_space<vmem>>, %arg4: memref<1x128xf32, #tpu.memory_space<vmem>>, %arg5: memref<10240x128xf32, #tpu.memory_space<vmem>>) attributes {dimension_semantics = [], scalar_prefetch = 0 : i64, scratch_operands = 0 : i64, tpu.core_type = #tpu.core_type<tc>} {
    %get3A = arith.constant 0 : index
    %get3A_0 = arith.constant 0 : index
    %get3A_1 = vector.load %arg2[%get3A, %get3A_0] : memref<8x128xf32, #tpu.memory_space<vmem>>, vector<1x128xf32>
    %mul3A = arith.constant 9.99999974E-5 : f32
    %mul3A_2 = vector.broadcast %mul3A : f32 to vector<1x128xf32>
    %mul3A_3 = arith.mulf %get3A_1, %mul3A_2 : vector<1x128xf32>
    %get3A_4 = arith.constant 1 : index
    %get3A_5 = arith.constant 0 : index
    %get3A_6 = vector.load %arg2[%get3A_4, %get3A_5] : memref<8x128xf32, #tpu.memory_space<vmem>>, vector<1x128xf32>
    %mul3A_7 = arith.constant 9.99999974E-5 : f32
    %mul3A_8 = vector.broadcast %mul3A_7 : f32 to vector<1x128xf32>
    %mul3A_9 = arith.mulf %get3A_6, %mul3A_8 : vector<1x128xf32>
    %mul3A_10 = arith.mulf %mul3A_3, %mul3A_3 : vector<1x128xf32>
    %sub3A = arith.subf %mul3A_9, %mul3A_10 : vector<1x128xf32>
    %get3A_11 = arith.constant 0 : index
    %get3A_12 = arith.constant 0 : index
    %get3A_13 = vector.load %arg3[%get3A_11, %get3A_12] : memref<1x128xf32, #tpu.memory_space<vmem>>, vector<1x128xf32>
    %add3A = arith.constant 9.99999974E-6 : f32
    %add3A_14 = vector.broadcast %add3A : f32 to vector<1x128xf32>
    %add3A_15 = arith.addf %sub3A, %add3A_14 : vector<1x128xf32>
    %rsqrt3A = math.rsqrt %add3A_15 : vector<1x128xf32>
    %mul3A_16 = arith.mulf %get3A_13, %rsqrt3A : vector<1x128xf32>
    %get3A_17 = arith.constant 0 : index
    %get3A_18 = arith.constant 0 : index
    %get3A_19 = vector.load %arg4[%get3A_17, %get3A_18] : memref<1x128xf32, #tpu.memory_space<vmem>>, vector<1x128xf32>
    %mul3A_20 = arith.mulf %mul3A_3, %mul3A_16 : vector<1x128xf32>
    %sub3A_21 = arith.subf %get3A_19, %mul3A_20 : vector<1x128xf32>
    %get3A_22 = arith.constant 0 : index
    %get3A_23 = arith.constant 0 : index
    %get3A_24 = vector.load %arg0[%get3A_22, %get3A_23] : memref<10240x128xf32, #tpu.memory_space<vmem>>, vector<10240x128xf32>
    %get3A_25 = arith.constant 0 : index
    %get3A_26 = arith.constant 0 : index
    %get3A_27 = vector.load %arg1[%get3A_25, %get3A_26] : memref<10240x128xf32, #tpu.memory_space<vmem>>, vector<10240x128xf32>
    %mul3A_28 = vector.broadcast %mul3A_16 : vector<1x128xf32> to vector<10240x128xf32>
    %mul3A_29 = arith.mulf %get3A_27, %mul3A_28 : vector<10240x128xf32>
    %add3A_30 = arith.addf %get3A_24, %mul3A_29 : vector<10240x128xf32>
    %add3A_31 = vector.broadcast %sub3A_21 : vector<1x128xf32> to vector<10240x128xf32>
    %add3A_32 = arith.addf %add3A_30, %add3A_31 : vector<10240x128xf32>
    %max3A = arith.constant 0.000000e+00 : f32
    %max3A_33 = vector.broadcast %max3A : f32 to vector<10240x128xf32>
    %max3A_34 = arith.maximumf %add3A_32, %max3A_33 : vector<10240x128xf32>
    %abs3A = math.absf %add3A_32 : vector<10240x128xf32>
    %neg3A = arith.constant 0.000000e+00 : f32
    %neg3A_35 = vector.broadcast %neg3A : f32 to vector<10240x128xf32>
    %neg3A_36 = arith.subf %neg3A_35, %abs3A : vector<10240x128xf32>
    %exp3A = math.exp %neg3A_36 : vector<10240x128xf32>
    %add3A_37 = arith.constant 1.000000e+00 : f32
    %add3A_38 = vector.broadcast %add3A_37 : f32 to vector<10240x128xf32>
    %add3A_39 = arith.addf %add3A_38, %exp3A : vector<10240x128xf32>
    %log3A = math.log %add3A_39 : vector<10240x128xf32>
    %add3A_40 = arith.addf %max3A_34, %log3A : vector<10240x128xf32>
    %swap3A = arith.constant 0 : index
    %swap3A_41 = arith.constant 0 : index
    %swap3A_42 = vector.load %arg5[%swap3A, %swap3A_41] : memref<10240x128xf32, #tpu.memory_space<vmem>>, vector<10240x128xf32>
    tpu.vector_store %arg5[%swap3A, %swap3A_41], %add3A_40 {strides = array<i32>} : memref<10240x128xf32, #tpu.memory_space<vmem>>, vector<10240x128xf32>,
    return
  }
}

</mosaic_0001>

<sc_bundles>
// kernel: kernel.6.cloned.1.call-start
scs
__scs_entry_jumppad:
0x0: {  	(pc) =	sbr.rel $0x88, $3  }
0x1: {  	(tag) =	ssettag $0x0;
	lr =	simm.s32 $0x1  }
0x2: {  	[smem:$0x3F98] =	sst lr;
	_ =	strace $0xD0000000  }
0x3: {  	_ = 	snop  }
0x4: {  	_ = 	snop  }
0x5: {  	_ = 	snop  }
0x6: {  	_ = 	snop  }
0x7: {  	_ = 	snop  }
__scs_overlays_trampoline_lowered:
0x8: {  	[smem:$0x3FA7] =	sst s0  }
0x9: {  	[smem:$0x3FA8] =	sst s1  }
0xa: {  	[smem:$0x3FA9] =	sst s2  }
0xb: {  	[smem:$0x3FAA] =	sst s3  }
0xc: {  	[smem:$0x3FAB] =	sst s4  }
0xd: {  	[smem:$0x3FAC] =	sst s5  }
0xe: {  	[smem:$0x3FAD] =	sst s6  }
0xf: {  	[smem:$0x3FAE] =	sst s7  }
0x10: {  	[smem:$0x3FAF] =	sst s8  }
0x11: {  	[smem:$0x3FB0] =	sst s9;
	s0 =	simm.s32 @!p0 $0x0  }
0x12: {  	s1 =	sld [smem:$0x3F96];
	s0 =	simm.s32 @p0 $0x1  }
0x13: {  	[smem:$0x3FB1] =	sst s0;
	s0 =	simm.s32 @!p1 $0x0  }
0x14: {  	s2 =	sld [smem:$0x3F95];
	s0 =	simm.s32 @p1 $0x1  }
0x15: {  	[smem:$0x3FB2] =	sst s0;
	s0 =	simm.s32 @!p2 $0x0  }
0x16: {  	s3 =	sld [smem:$0x3FDB];
	s0 =	simm.s32 @p2 $0x1  }
0x17: {  	s4 =	simm.s32 $0x1BF5;
	[smem:$0x3FB4] =	sst s0  }
0x18: {  	s0 =	sld [smem:$0x3F97];
	_ =	swait.ge [sflag:s4], $0x0  }
0x19: {  	s7 =	sld [smem:$0x3F98]  }
0x1a: {  	s8 =	sadd.s32 $0xFFFFE003, lr  }
0x1b: {  	s9 =	sadd.s32 $0xFFFFFEF7, lr;
	s5 =	simm.s32 $0xFFFFFFFF;
	p2 =	slt.u32 s8, $0xFFFFF086  }
0x1c: {  	p1 =	slt.u32 s9, $0xF7A;
	s5 =	simm.s32 @!p2 $0x0  }
0x1d: {  	s5 =	simm.s32 @p1 $0x1;
	p0 =	seq.s32 s7, s2  }
0x1e: {  	s7 =	smul.u32 @!p0 $0xF7A, s2;
	p2 =	seq.s32 @!p0 s5, $0x0  }
0x1f: {  	s9 =	smul.u32 $0xF7A, s1;
	s8 =	simm.s32 @!p0 $0x1BF5;
	p2 =	por !p2, p0  }
0x20: {  	[sflag:s8] =	ssyncset.s32 @!p0 $0xFFFFF086;
	s6 =	sadd.s32 @!p0 s3, s7;
	s7 =	simm.s32 @!p0 $0x108  }
0x21: {  	s3 =	sadd.s32 s3, s9;
	s6 =	sadd.s32 @!p0 $0x88, s6;
	s7 =	simm.s32 @p2 $0x1082  }
0x22: {  	[simem:s7], [sflag:s8] =	dma.local @!p0 [hbm:s6], $0xF7A  }
0x23: {  	s9 =	sor.u32 $0xD0000000, s2;
	s6 =	simm.s32 $0x108;
	_ =	swait.ge @!p0 [sflag:s8], $0x0  }
0x24: {  	s3 =	sadd.s32 $0x88, s3;
	s6 =	simm.s32 @!p1 $0x1082;
	[sflag:s4] =	ssyncset.s32 $0xFFFFF086  }
0x25: {  	[simem:s6], [sflag:s4] =	dma.local [hbm:s3], $0xF7A  }
0x26: {  	[smem:$0x3F98] =	sst s1;
	(tag) =	ssettag s2;
	_ =	strace s9  }
0x27: {  	s1 =	sld [smem:$0x3FA8]  }
0x28: {  	s2 =	sld [smem:$0x3FA9]  }
0x29: {  	s4 =	sld [smem:$0x3FAB]  }
0x2a: {  	p0 =	seq.s32 s5, $0x0;
	s5 =	sld [smem:$0x3FAC]  }
0x2b: {  	s6 =	sld [smem:$0x3FAD]  }
0x2c: {  	s7 =	sld [smem:$0x3FAE]  }
0x2d: {  	s3 =	simm.s32 $0x108;
	s8 =	sld [smem:$0x3FAF]  }
0x2e: {  	s3 =	simm.s32 @!p0 $0x1082;
	s9 =	sld [smem:$0x3FB0]  }
0x2f: {  	lr =	sadd.s32 s0, s3;
	s0 =	sld [smem:$0x3FA7]  }
0x30: {  	s3 =	sld [smem:$0x3FAA]  }
0x31: {  	[smem:$0x3FB3] =	sst s10  }
0x32: {  	s10 =	sld [smem:$0x3FB1];
	_ =	sdelay $0x3  }
0x33: {  	p0 =	seq.s32 s10, $0x1;
	s10 =	sld [smem:$0x3FB3];
	_ =	sdelay $0x3  }
0x34: {  	[smem:$0x3FB3] =	sst s10  }
0x35: {  	s10 =	sld [smem:$0x3FB2];
	_ =	sdelay $0x3  }
0x36: {  	p1 =	seq.s32 s10, $0x1;
	s10 =	sld [smem:$0x3FB3];
	_ =	sdelay $0x3  }
0x37: {  	[smem:$0x3FB3] =	sst s10  }
0x38: {  	s10 =	sld [smem:$0x3FB4]  }
0x39: {  	_ = 	snop;
	(pc) =	sbr.ind lr, $3  }
0x3a: {  	_ = 	snop  }
0x3b: {  	_ = 	snop  }
0x3c: {  	p2 =	seq.s32 s10, $0x1;
	s10 =	sld [smem:$0x3FB3]  }
0x3d: {  	_ =	shalt  }
0x3e: {  	_ =	shalt  }
0x3f: {  	_ =	shalt  }
0x40: {  	_ =	shalt  }
0x41: {  	_ =	shalt  }
0x42: {  	_ =	shalt  }
0x43: {  	_ =	shalt  }
0x44: {  	_ =	shalt  }
0x45: {  	_ =	shalt  }
0x46: {  	_ =	shalt  }
0x47: {  	_ =	shalt  }
0x48: {  	_ =	shalt  }
0x49: {  	_ =	shalt  }
0x4a: {  	_ =	shalt  }
0x4b: {  	_ =	shalt  }
0x4c: {  	_ =	shalt  }
0x4d: {  	_ =	shalt  }
0x4e: {  	_ =	shalt  }
0x4f: {  	_ =	shalt  }
0x50: {  	_ =	shalt  }
0x51: {  	_ =	shalt  }
0x52: {  	_ =	shalt  }
0x53: {  	_ =	shalt  }
0x54: {  	_ =	shalt  }
0x55: {  	_ =	shalt  }
0x56: {  	_ =	shalt  }
0x57: {  	_ =	shalt  }
0x58: {  	_ =	shalt  }
0x59: {  	_ =	shalt  }
0x5a: {  	_ =	shalt  }
0x5b: {  	_ =	shalt  }
0x5c: {  	_ =	shalt  }
0x5d: {  	_ =	shalt  }
0x5e: {  	_ =	shalt  }
0x5f: {  	_ =	shalt  }
0x60: {  	_ =	shalt  }
0x61: {  	_ =	shalt  }
0x62: {  	_ =	shalt  }
0x63: {  	_ =	shalt  }
0x64: {  	_ =	shalt  }
0x65: {  	_ =	shalt  }
0x66: {  	_ =	shalt  }
0x67: {  	_ =	shalt  }
0x68: {  	_ =	shalt  }
0x69: {  	_ =	shalt  }
0x6a: {  	_ =	shalt  }
0x6b: {  	_ =	shalt  }
0x6c: {  	_ =	shalt  }
0x6d: {  	_ =	shalt  }
0x6e: {  	_ =	shalt  }
0x6f: {  	_ =	shalt  }
0x70: {  	_ =	shalt  }
0x71: {  	_ =	shalt  }
0x72: {  	_ =	shalt  }
0x73: {  	_ =	shalt  }
0x74: {  	_ =	shalt  }
0x75: {  	_ =	shalt  }
0x76: {  	_ =	shalt  }
0x77: {  	_ =	shalt  }
0x78: {  	_ =	shalt  }
0x79: {  	_ =	shalt  }
0x7a: {  	_ =	shalt  }
0x7b: {  	_ =	shalt  }
0x7c: {  	_ =	shalt  }
0x7d: {  	_ =	shalt  }
0x7e: {  	_ =	shalt  }
0x7f: {  	_ =	shalt  }
0x80: {  	_ =	shalt  }
0x81: {  	_ =	shalt  }
0x82: {  	_ =	shalt  }
0x83: {  	_ =	shalt  }
0x84: {  	_ =	shalt  }
0x85: {  	_ =	shalt  }
0x86: {  	_ =	shalt  }
0x87: {  	_ =	shalt  }
.Lfunc_end0:
.L_simem_size_0:
called_computation_lowered:
.L_overlay_start_0:
0x88: {  	s2 =	sld [smem:$0x3FD9]  }
0x89: {  	s3 =	sld [smem:$0x3FFE];
	_ =	sdelay $0x1  }
0x8a: {  	s1 =	srdreg.scid  }
0x8b: {  	s0 =	sand.u32 $0x1, s1  }
0x8c: {  	s17 =	sshll.u32 s0, $0xA;
	s2 =	sadd.s32 s3, s2  }
0x8d: {  	s2 =	sadd.s32 s2, s17  }
0x8e: {  	[smem:$0x3FBF] =	sst s2  }
0x8f: {  	_ = 	snop  }
0x90: {  	s2 =	sld [smem:$0x3FC9]  }
0x91: {  	s18 =	sld [smem:$0x3FD0];
	(tm) =	ssettm $0x1  }
0x92: {  	s4 =	sld [smem:$0x3FFB];
	_ =	sdelay $0x3  }
0x93: {  	_ =	strace s4  }
0x94: {  	s4 =	sld [smem:$0x3FFC];
	_ =	sdelay $0x3  }
0x95: {  	_ =	strace s4  }
0x96: {  	s4 =	sld [smem:$0x3FFD];
	_ =	sdelay $0x3  }
0x97: {  	_ =	strace s4  }
0x98: {  	_ =	strace $0x8FFFFFFF  }
0x99: {  	s19 =	sld [smem:$0x3FDB];
	_ =	sdelay $0x1  }
0x9a: {  	s5 =	simm.s32 $_scs_section_size  }
0x9b: {  	s6 =	simm.s32 $_size__tile_overlayer_lowered;
	s7 =	simm.s32 $_tile_overlayer_lowered  }
0x9c: {  	s22 =	simm.s32 $0x1BFF;
	s21 =	sshll.u32 s7, $0x1;
	s4 =	sadd.s32 s5, s19  }
0x9d: {  	s8 =	simm.s32 $0x0;
	s20 =	sshll.u32 s6, $0x1;
	s6 =	sadd.s32 s21, s4  }
0x9e: {  	[timem:s8], [sflag:s22] =	dma.local [hbm:s6], s20  }
0x9f: {  	_ =	swait.ge [sflag:s22], s20  }
0xa0: {  	s5 =	ssub.s32 $0x0, s20;
	[sflag:s22] =	ssyncset.done $0x0  }
0xa1: {  	[sflag:s22] =	ssyncadd.s32 s5;
	_ =	sdelay $0x1  }
0xa2: {  	s23 =	simm.s32 $0x1B8B  }
0xa3: {  	_ =	swait.ge [sflag:s23], $0x1  }
0xa4: {  	[sflag:s23] =	ssyncset.done $0x0  }
0xa5: {  	s25 =	simm.s32 $0x1B8E;
	s24 =	sld [smem:$0x3FFE];
	[sflag:s23] =	ssyncadd.s32 $0xFFFFFFFF  }
0xa6: {  	s26 =	simm.s32 $execute0_lowered;
	[smem:$0x3FD2] =	sst s25  }
0xa7: {  	s6 =	sshll.u32 s26, $0x1;
	_ =	strace $0x80000046;
	[dreg:$0x1] =	wrdreg $0xFFFFFFFF  }
0xa8: {  	s28 =	simm.s32 $_size_execute0_lowered;
	s4 =	sadd.s32 s4, s6;
	[dreg:$0x0] =	wrdreg $0x0  }
0xa9: {  	s6 =	sshll.u32 s28, $0x1;
	[dreg:$0x2] =	wrdreg s4  }
0xaa: {  	[dreg:$0x3] =	wrdreg s6  }
0xab: {  	[dreg:$0x4] =	wrdreg $0xC0  }
0xac: {  	_ =	task [dreg:s8], $0x5FFFF  }
0xad: {  	[dreg:$0x1] =	wrdreg $0xFFFFFFFF  }
0xae: {  	[dreg:$0x0] =	wrdreg $0x60  }
0xaf: {  	[dreg:$0x2] =	wrdreg s2  }
0xb0: {  	[dreg:$0x3] =	wrdreg s18  }
0xb1: {  	[dreg:$0x4] =	wrdreg s24  }
0xb2: {  	[dreg:$0x5] =	wrdreg $0x0  }
0xb3: {  	[dreg:$0x6] =	wrdreg $0x9  }
0xb4: {  	_ =	task.clear_ibuf [dreg:s8], $0x7FFFF;
	_ =	strace $0x90000046  }
0xb5: {  	s29 =	simm.s32 $0x9;
	_ =	strace $0x80000048  }
0xb6: {  	_ =	swait.ge [sflag:s29], $0x1  }
0xb7: {  	[sflag:s29] =	ssyncadd.s32 $0xFFFFFFFF  }
0xb8: {  	_ =	strace $0x90000048  }
0xb9: {  	_ =	sfence  }
0xba: {  	s30 =	sld [smem:$0x0];
	_ =	sdelay $0x2  }
0xbb: {  	s31 =	sshll.u32 s1, $0xD;
	s1 =	sshrl.u32 s1, $0x2  }
0xbc: {  	s3 =	sand.u32 $0x4000, s31;
	s1 =	sadd.s32 s1, s30  }
0xbd: {  	s0 =	sor.u32 s3, s0;
	s1 =	sshll.u32 s1, $0x11  }
0xbe: {  	s0 =	sor.u32 s1, s0  }
0xbf: {  	s0 =	sadd.s32 $0x8F2B, s0  }
0xc0: {  	[sflag:s0] =	ssyncadd.remote.s32 $0x1  }
0xc1: {  	_ =	sfence.sel $0xFFFF  }
0xc2: {  	[dreg:$0x0] =	wrdreg $0xFFFFFFFF;
	(pc) =	sbr.abs _section_cstart, $3  }
0xc3: {  	[dreg:$0x1] =	wrdreg $0xFFFFFFFF  }
0xc4: {  	_ =	task.clear_ibuf [dreg:s8], $0x2FFFF;
	_ =	strace $0x9FFFFFFF  }
0xc5: {  	(tm) =	ssettm $0x7FFFFFFF  }
tec
execute0_lowered:
.L_overlay_start_1:
0x0: {  	(tag) =	ssettag $0x1  }
0x1: {  	s0 =	rddreg [dreg:$0x1];
	s1 =	stileid.u32  }
0x2: {  	s2 =	srdreg.scid;
	s4 =	rddreg [dreg:$0x2]  }
0x3: {  	s11 =	simm.s32 $0x16000;
	s13 =	simm.s32 $0x17400;
	s14 =	simm.s32 $0x1  }
0x4: {  	s29 =	simm.s32 $0x18800;
	s15 =	simm.s32 $0x2;
	s30 =	simm.s32 $0x19C00  }
0x5: {  	s16 =	simm.s32 $0x3;
	s31 =	simm.s32 $0x1B000;
	s17 =	simm.s32 $0x4  }
0x6: {  	s18 =	simm.s32 $0x5;
	s19 =	simm.s32 $0x6;
	s20 =	simm.s32 $0x7  }
0x7: {  	s21 =	simm.s32 $0x8;
	s22 =	simm.s32 $0x9;
	s23 =	simm.s32 $0xA  }
0x8: {  	s5 =	sand.u32 $0x1, s2;
	s3 =	sshll.u32 s1, $0x1;
	s2 =	rddreg [dreg:$0x3]  }
0x9: {  	s6 =	smul.u32 $0x50000, s1;
	s7 =	sor.u32 s5, s3;
	s3 =	simm.s32 $0x0  }
0xa: {  	p0 =	sne.s32 s1, $0x0;
	s8 =	ssub.s32 $0x2, s5;
	[smem:$0x7FF] =	sst s3  }
0xb: {  	s7 =	smul.u32 $0x4E2, s7;
	_ =	strace $0x80000047;
	[dreg:$0x5] =	wrdreg s29  }
0xc: {  	s5 =	smul.u32 $0x28000, s5;
	s26 =	sshrl.u32 s8, $0x1;
	[dreg:$0x6] =	wrdreg s30  }
0xd: {  	s8 =	ssub.s32 s8, s26;
	[dreg:$0x7] =	wrdreg s31;
	s0 =	sadd.s32 s0, s7  }
0xe: {  	s6 =	sadd.s32 s6, s4;
	s4 =	smax.u32 s8, $0x1;
	[dreg:$0x8] =	wrdreg s0  }
0xf: {  	s28 =	sadd.s32 s5, s6;
	[dreg:$0x9] =	wrdreg s4;
	s0 =	sshrl.u32 @!p0 s2, $0x3  }
0x10: {  	s24 =	simm.s32 $0x0;
	s6 =	sadd.s32 $0x1400, s28;
	[dreg:$0xa] =	wrdreg s0  }
.LBB2_1:
0x11: {  	s1 =	rddreg [dreg:$0x0]  }
0x12: {  	s0 =	simm.s32 @!p0 $0x1C0B;
	s4 =	rddreg [dreg:$0xa]  }
0x13: {  	[spmem:s4], [sflag:s0] =	dma.local @!p0 [hbm:s1], $0x27100  }
0x14: {  	s0 =	simm.s32 @!p0 $0xB  }
0x15: {  	_ =	swait.ge @!p0 [sflag:s0], $0x27100  }
0x16: {  	s5 =	simm.s32 $0xB;
	[sflag:s0] =	ssyncset.done @!p0 $0x0  }
0x17: {  	s4 =	simm.s32 $0x13880;
	s1 =	rddreg [dreg:$0x8];
	[sflag:s0] =	ssyncadd.s32 @!p0 $0xFFFD8F00  }
0x18: {  	[tilespmem:s4], [sflag:$0xB] =	stream.linear.gather [hbm4b:s1+s3], $0x2710, $0x38;
	[tilespmem:$0x1C400] =	vst v63  }
0x19: {  	_ =	swait.ge [sflag:s5], $0x2710  }
0x1a: {  	[sflag:s5] =	ssyncset.done $0x0  }
0x1b: {  	p1 =	por $0x1, $0x1;
	[sflag:s5] =	ssyncadd.s32 $0xFFFFD8F0  }
0x1c: {  	s7 =	simm.s32 $0x28;
	p2 =	por p1, p1;
	[bflag:$0x0] =	sbarrier.arrive $0xFFFF  }
0x1d: {  	[tilespmem:s11], [sflag:$0x1] =	stream.indirect.gather [spmem:s2], $0x80, s4, s7, $0xb8;
	[tilespmem:$0x1C400] =	vst v63  }
0x1e: {  	s8 =	simm.s32 $0x138A8;
	s0 =	simm.s32 @!p2 $0x8  }
0x1f: {  	[tilespmem:s13], [sflag:$0x2] =	stream.indirect.gather [spmem:s2], $0x80, s8, s7, $0xb8;
	[tilespmem:$0x1C400] =	vst v63  }
0x20: {  	_ =	swait.ge @!p2 [sflag:s0], $0x1400  }
0x21: {  	s1 =	simm.s32 @!p1 $0x138D0;
	p1 =	por $0x0, $0x0;
	[sflag:s0] =	ssyncset.done @!p2 $0x0  }
0x22: {  	s8 =	simm.s32 @!p2 $0x18800;
	[sflag:s0] =	ssyncadd.s32 @!p2 $0xFFFFEC00;
	s0 =	simm.s32 @!p2 $0x28  }
0x23: {  	[tilespmem:s8], [sflag:$0x3] =	stream.indirect.gather @!p2 [spmem:s2], $0x80, s1, s0, $0xb8;
	[tilespmem:$0x1C400] =	vst v63  }
0x24: {  	s0 =	simm.s32 @!p1 $0x138D0;
	s1 =	simm.s32 @!p1 $0x28;
	s8 =	simm.s32 @!p1 $0x18800  }
0x25: {  	[tilespmem:s8], [sflag:$0x3] =	stream.indirect.gather @!p1 [spmem:s2], $0x80, s0, s1, $0xb8;
	[tilespmem:$0x1C400] =	vst v63  }
0x26: {  	_ =	swait.ge [sflag:s14], $0x1400  }
0x27: {  	p2 =	por $0x1, $0x1;
	[sflag:s14] =	ssyncset.done $0x0  }
0x28: {  	s0 =	simm.s32 @!p2 $0x9;
	[sflag:s14] =	ssyncadd.s32 $0xFFFFEC00  }
0x29: {  	[hbm4b:s6+s3] =	stream.linear.scatter [tilespmem:s11], [sflag:$0x6], $0x1400, $0x38;
	[tilespmem:$0x1C400] =	vst v63  }
0x2a: {  	_ =	swait.ge @!p2 [sflag:s0], $0x1400  }
0x2b: {  	s12 =	simm.s32 @!p2 $0x28;
	[sflag:s0] =	ssyncset.done @!p2 $0x0  }
0x2c: {  	s25 =	simm.s32 @!p2 $0x19C00;
	s8 =	simm.s32 @!p2 $0x138F8;
	[sflag:s0] =	ssyncadd.s32 @!p2 $0xFFFFEC00  }
0x2d: {  	[tilespmem:s25], [sflag:$0x4] =	stream.indirect.gather @!p2 [spmem:s2], $0x80, s8, s12, $0xb8;
	[tilespmem:$0x1C400] =	vst v63  }
0x2e: {  	s0 =	simm.s32 @!p1 $0x138F8;
	s8 =	simm.s32 @!p1 $0x19C00  }
0x2f: {  	[tilespmem:s8], [sflag:$0x4] =	stream.indirect.gather @!p1 [spmem:s2], $0x80, s0, s1, $0xb8;
	[tilespmem:$0x1C400] =	vst v63  }
0x30: {  	_ =	swait.ge [sflag:s15], $0x1400  }
0x31: {  	p2 =	por $0x1, $0x1;
	[sflag:s15] =	ssyncset.done $0x0  }
0x32: {  	s9 =	sadd.s32 $0x280, s6;
	s8 =	simm.s32 @!p2 $0xA;
	[sflag:s15] =	ssyncadd.s32 $0xFFFFEC00  }
0x33: {  	[hbm4b:s9+s3] =	stream.linear.scatter [tilespmem:s13], [sflag:$0x7], $0x1400, $0x38;
	[tilespmem:$0x1C400] =	vst v63  }
0x34: {  	_ =	swait.ge @!p2 [sflag:s8], $0x1400  }
0x35: {  	s12 =	simm.s32 @!p2 $0x28;
	[sflag:s8] =	ssyncset.done @!p2 $0x0  }
0x36: {  	s25 =	simm.s32 @!p2 $0x1B000;
	s0 =	simm.s32 @!p2 $0x13920;
	[sflag:s8] =	ssyncadd.s32 @!p2 $0xFFFFEC00  }
0x37: {  	[tilespmem:s25], [sflag:$0x5] =	stream.indirect.gather @!p2 [spmem:s2], $0x80, s0, s12, $0xb8;
	[tilespmem:$0x1C400] =	vst v63  }
0x38: {  	s8 =	simm.s32 @!p1 $0x1B000;
	s0 =	simm.s32 @!p1 $0x13920  }
0x39: {  	[tilespmem:s8], [sflag:$0x5] =	stream.indirect.gather @!p1 [spmem:s2], $0x80, s0, s1, $0xb8;
	[tilespmem:$0x1C400] =	vst v63  }
0x3a: {  	_ =	swait.ge [sflag:s16], $0x1400  }
0x3b: {  	s12 =	sadd.s32 $0x500, s6;
	p1 =	por $0x0, $0x0;
	[sflag:s16] =	ssyncset.done $0x0  }
0x3c: {  	s8 =	simm.s32 @!p1 $0x6;
	s10 =	rddreg [dreg:$0x5];
	[sflag:s16] =	ssyncadd.s32 $0xFFFFEC00  }
0x3d: {  	[hbm4b:s12+s3] =	stream.linear.scatter [tilespmem:s10], [sflag:$0x8], $0x1400, $0x38;
	[tilespmem:$0x1C400] =	vst v63  }
0x3e: {  	_ =	swait.ge @!p1 [sflag:s8], $0x1400  }
0x3f: {  	s0 =	simm.s32 @!p1 $0x13948;
	[sflag:s8] =	ssyncset.done @!p1 $0x0  }
0x40: {  	s1 =	simm.s32 @!p1 $0x28;
	s12 =	simm.s32 @!p1 $0x16000;
	[sflag:s8] =	ssyncadd.s32 @!p1 $0xFFFFEC00  }
0x41: {  	[tilespmem:s12], [sflag:$0x1] =	stream.indirect.gather @!p1 [spmem:s2], $0x80, s0, s1, $0xb8;
	[tilespmem:$0x1C400] =	vst v63  }
0x42: {  	_ =	swait.ge [sflag:s17], $0x1400  }
0x43: {  	s26 =	sadd.s32 $0x780, s6;
	[sflag:s17] =	ssyncset.done $0x0  }
0x44: {  	s12 =	simm.s32 @!p1 $0x7;
	s25 =	rddreg [dreg:$0x6];
	[sflag:s17] =	ssyncadd.s32 $0xFFFFEC00  }
0x45: {  	[hbm4b:s26+s3] =	stream.linear.scatter [tilespmem:s25], [sflag:$0x9], $0x1400, $0x38;
	[tilespmem:$0x1C400] =	vst v63  }
0x46: {  	s28 =	simm.s32 $0x2;
	s29 =	simm.s32 $0x640;
	_ =	swait.ge @!p1 [sflag:s12], $0x1400  }
0x47: {  	s30 =	simm.s32 $0x7;
	p2 =	por $0x0, $0x0;
	[sflag:s12] =	ssyncset.done @!p1 $0x0  }
0x48: {  	s8 =	simm.s32 @!p1 $0x17400;
	s0 =	simm.s32 @!p1 $0x13970;
	[sflag:s12] =	ssyncadd.s32 @!p1 $0xFFFFEC00  }
0x49: {  	[tilespmem:s8], [sflag:$0x2] =	stream.indirect.gather @!p1 [spmem:s2], $0x80, s0, s1, $0xb8;
	[tilespmem:$0x1C400] =	vst v63  }
0x4a: {  	s31 =	simm.s32 @!p2 $0x13998;
	s26 =	simm.s32 $0x320;
	_ =	swait.ge [sflag:s18], $0x1400  }
0x4b: {  	s25 =	sadd.s32 $0xC80, s6;
	p1 =	por p2, p2;
	[sflag:s18] =	ssyncset.done $0x0  }
0x4c: {  	s8 =	sadd.s32 $0xA00, s6;
	s12 =	rddreg [dreg:$0x7];
	[sflag:s18] =	ssyncadd.s32 $0xFFFFEC00  }
.LBB2_2:
0x4d: {  	s4 =	simm.s32 @!p1 $0x8  }
0x4e: {  	[hbm4b:s8+s3] =	stream.linear.scatter [tilespmem:s12], [sflag:$0xA], $0x1400, $0x38;
	[tilespmem:$0x1C400] =	vst v63  }
0x4f: {  	p4 =	sgt.u32 s30, $0xF4;
	s0 =	smov.u32 s29;
	_ =	swait.ge @!p1 [sflag:s4], $0x1400  }
0x50: {  	s12 =	simm.s32 @!p1 $0x18800;
	p3 =	sne.s32 s26, $0x0;
	[sflag:s4] =	ssyncset.done @!p1 $0x0  }
0x51: {  	s10 =	sshra.s32 @!p3 s26, $0x2;
	[sflag:s4] =	ssyncadd.s32 @!p1 $0xFFFFEC00;
	s4 =	simm.s32 @!p1 $0x28  }
0x52: {  	[tilespmem:s12], [sflag:$0x3] =	stream.indirect.gather @!p1 [spmem:s2], $0x80, s31, s4, $0xb8;
	[tilespmem:$0x1C400] =	vst v63  }
0x53: {  	s4 =	sadd.s32 @!p3 $0x138D0, s10;
	s12 =	simm.s32 @!p3 $0x28;
	s31 =	simm.s32 @!p3 $0x18800  }
0x54: {  	[tilespmem:s31], [sflag:$0x3] =	stream.indirect.gather @!p3 [spmem:s2], $0x80, s4, s12, $0xb8;
	[tilespmem:$0x1C400] =	vst v63  }
0x55: {  	s8 =	sshra.s32 @!p4 s0, $0x2;
	s31 =	sadd.s32 $0x1, s28;
	_ =	swait.ge [sflag:s14], $0x1400  }
0x56: {  	s8 =	sadd.s32 @!p4 $0x138D0, s8;
	p5 =	sgt.u32 s31, $0xF4;
	[sflag:s14] =	ssyncset.done $0x0  }
0x57: {  	s31 =	smov.u32 s8;
	s8 =	simm.s32 @!p5 $0x9;
	[sflag:s14] =	ssyncadd.s32 $0xFFFFEC00  }
0x58: {  	[hbm4b:s25+s3] =	stream.linear.scatter [tilespmem:s11], [sflag:$0x6], $0x1400, $0x38;
	[tilespmem:$0x1C400] =	vst v63  }
0x59: {  	_ =	swait.ge @!p5 [sflag:s8], $0x1400  }
0x5a: {  	s5 =	sshra.s32 @!p5 s26, $0x2;
	s7 =	simm.s32 @!p5 $0x28;
	[sflag:s8] =	ssyncset.done @!p5 $0x0  }
0x5b: {  	s9 =	simm.s32 @!p5 $0x19C00;
	s5 =	sadd.s32 @!p5 $0x138F8, s5;
	[sflag:s8] =	ssyncadd.s32 @!p5 $0xFFFFEC00  }
0x5c: {  	[tilespmem:s9], [sflag:$0x4] =	stream.indirect.gather @!p5 [spmem:s2], $0x80, s5, s7, $0xb8;
	[tilespmem:$0x1C400] =	vst v63  }
0x5d: {  	s4 =	sadd.s32 @!p3 $0x138F8, s10;
	s5 =	simm.s32 @!p3 $0x19C00  }
0x5e: {  	[tilespmem:s5], [sflag:$0x4] =	stream.indirect.gather @!p3 [spmem:s2], $0x80, s4, s12, $0xb8;
	[tilespmem:$0x1C400] =	vst v63  }
0x5f: {  	s8 =	sadd.s32 $0x2, s28;
	_ =	swait.ge [sflag:s15], $0x1400  }
0x60: {  	p1 =	por p4, p4;
	p4 =	sgt.u32 s8, $0xF4;
	[sflag:s15] =	ssyncset.done $0x0  }
0x61: {  	s9 =	sadd.s32 $0x280, s25;
	s4 =	simm.s32 @!p4 $0xA;
	[sflag:s15] =	ssyncadd.s32 $0xFFFFEC00  }
0x62: {  	[hbm4b:s9+s3] =	stream.linear.scatter [tilespmem:s13], [sflag:$0x7], $0x1400, $0x38;
	[tilespmem:$0x1C400] =	vst v63  }
0x63: {  	_ =	swait.ge @!p4 [sflag:s4], $0x1400  }
0x64: {  	s7 =	sshra.s32 @!p4 s26, $0x2;
	s8 =	simm.s32 @!p4 $0x1B000;
	[sflag:s4] =	ssyncset.done @!p4 $0x0  }
0x65: {  	s5 =	sadd.s32 @!p4 $0x13920, s7;
	s7 =	simm.s32 @!p4 $0x28;
	[sflag:s4] =	ssyncadd.s32 @!p4 $0xFFFFEC00  }
0x66: {  	[tilespmem:s8], [sflag:$0x5] =	stream.indirect.gather @!p4 [spmem:s2], $0x80, s5, s7, $0xb8;
	[tilespmem:$0x1C400] =	vst v63  }
0x67: {  	s10 =	sadd.s32 @!p3 $0x13920, s10;
	s4 =	simm.s32 @!p3 $0x1B000  }
0x68: {  	[tilespmem:s4], [sflag:$0x5] =	stream.indirect.gather @!p3 [spmem:s2], $0x80, s10, s12, $0xb8;
	[tilespmem:$0x1C400] =	vst v63  }
0x69: {  	_ =	swait.ge [sflag:s16], $0x1400  }
0x6a: {  	s9 =	sadd.s32 $0x500, s25;
	p3 =	seq.s32 s26, $0x9920;
	[sflag:s16] =	ssyncset.done $0x0  }
0x6b: {  	s7 =	simm.s32 @!p3 $0x6;
	s5 =	rddreg [dreg:$0x5];
	[sflag:s16] =	ssyncadd.s32 $0xFFFFEC00  }
0x6c: {  	[hbm4b:s9+s3] =	stream.linear.scatter [tilespmem:s5], [sflag:$0x8], $0x1400, $0x38;
	[tilespmem:$0x1C400] =	vst v63  }
0x6d: {  	s8 =	sshra.s32 @!p3 s26, $0x2;
	s26 =	smov.u32 s0;
	_ =	swait.ge @!p3 [sflag:s7], $0x1400  }
0x6e: {  	s0 =	sadd.s32 @!p3 $0x13948, s8;
	s4 =	sadd.s32 @!p3 $0x13970, s8;
	[sflag:s7] =	ssyncset.done @!p3 $0x0  }
0x6f: {  	s8 =	simm.s32 @!p3 $0x16000;
	s5 =	simm.s32 @!p3 $0x28;
	[sflag:s7] =	ssyncadd.s32 @!p3 $0xFFFFEC00  }
0x70: {  	[tilespmem:s8], [sflag:$0x1] =	stream.indirect.gather @!p3 [spmem:s2], $0x80, s0, s5, $0xb8;
	[tilespmem:$0x1C400] =	vst v63  }
0x71: {  	_ =	swait.ge [sflag:s17], $0x1400  }
0x72: {  	s12 =	sadd.s32 $0x780, s25;
	[sflag:s17] =	ssyncset.done $0x0  }
0x73: {  	s8 =	simm.s32 @!p3 $0x7;
	s10 =	rddreg [dreg:$0x6];
	[sflag:s17] =	ssyncadd.s32 $0xFFFFEC00  }
0x74: {  	[hbm4b:s12+s3] =	stream.linear.scatter [tilespmem:s10], [sflag:$0x9], $0x1400, $0x38;
	[tilespmem:$0x1C400] =	vst v63  }
0x75: {  	s29 =	sadd.s32 $0x320, s29;
	_ =	swait.ge @!p3 [sflag:s8], $0x1400  }
0x76: {  	p2 =	sne.s32 s29, $0x9C40;
	[sflag:s8] =	ssyncset.done @!p3 $0x0  }
.Ltmp0:
0x77: {  	s0 =	simm.s32 @!p3 $0x17400;
	[sflag:s8] =	ssyncadd.s32 @!p3 $0xFFFFEC00;
	(pc) =	sbr.rel @p2 .LBB2_2-.Ltmp0, $4  }
0x78: {  	[tilespmem:s0], [sflag:$0x2] =	stream.indirect.gather @!p3 [spmem:s2], $0x80, s4, s5, $0xb8;
	[tilespmem:$0x1C400] =	vst v63  }
0x79: {  	s1 =	smov.u32 s25;
	s28 =	smov.u32 s30;
	_ =	swait.ge [sflag:s18], $0x1400  }
0x7a: {  	s30 =	sadd.s32 $0x5, s30;
	s25 =	sadd.s32 $0xC80, s25;
	[sflag:s18] =	ssyncset.done $0x0  }
0x7b: {  	s8 =	sadd.s32 $0xA00, s1;
	s12 =	rddreg [dreg:$0x7];
	[sflag:s18] =	ssyncadd.s32 $0xFFFFEC00  }
0x7c: {  	s0 =	simm.s32 @!p1 $0x8  }
0x7d: {  	[hbm4b:s8+s3] =	stream.linear.scatter [tilespmem:s12], [sflag:$0xA], $0x1400, $0x38;
	[tilespmem:$0x1C400] =	vst v63  }
0x7e: {  	_ =	swait.ge @!p1 [sflag:s0], $0x1400  }
0x7f: {  	s1 =	simm.s32 @!p1 $0x18800;
	p2 =	sne.s32 s26, $0x0;
	[sflag:s0] =	ssyncset.done @!p1 $0x0  }
0x80: {  	s4 =	sshra.s32 @!p2 s26, $0x2;
	[sflag:s0] =	ssyncadd.s32 @!p1 $0xFFFFEC00;
	s0 =	simm.s32 @!p1 $0x28  }
0x81: {  	[tilespmem:s1], [sflag:$0x3] =	stream.indirect.gather @!p1 [spmem:s2], $0x80, s31, s0, $0xb8;
	[tilespmem:$0x1C400] =	vst v63  }
0x82: {  	s5 =	simm.s32 @!p2 $0x18800;
	s0 =	sadd.s32 @!p2 $0x138D0, s4;
	s1 =	simm.s32 @!p2 $0x28  }
0x83: {  	[tilespmem:s5], [sflag:$0x3] =	stream.indirect.gather @!p2 [spmem:s2], $0x80, s0, s1, $0xb8;
	[tilespmem:$0x1C400] =	vst v63  }
0x84: {  	s7 =	sadd.s32 $0x1, s28;
	_ =	swait.ge [sflag:s14], $0x1400  }
0x85: {  	p1 =	sgt.u32 s7, $0xF4;
	[sflag:s14] =	ssyncset.done $0x0  }
0x86: {  	s0 =	simm.s32 @!p1 $0x9;
	[sflag:s14] =	ssyncadd.s32 $0xFFFFEC00  }
0x87: {  	[hbm4b:s25+s3] =	stream.linear.scatter [tilespmem:s11], [sflag:$0x6], $0x1400, $0x38;
	[tilespmem:$0x1C400] =	vst v63  }
0x88: {  	_ =	swait.ge @!p1 [sflag:s0], $0x1400  }
0x89: {  	s7 =	simm.s32 @!p1 $0x28;
	s5 =	sshra.s32 @!p1 s26, $0x2;
	[sflag:s0] =	ssyncset.done @!p1 $0x0  }
0x8a: {  	s8 =	simm.s32 @!p1 $0x19C00;
	s5 =	sadd.s32 @!p1 $0x138F8, s5;
	[sflag:s0] =	ssyncadd.s32 @!p1 $0xFFFFEC00  }
0x8b: {  	[tilespmem:s8], [sflag:$0x4] =	stream.indirect.gather @!p1 [spmem:s2], $0x80, s5, s7, $0xb8;
	[tilespmem:$0x1C400] =	vst v63  }
0x8c: {  	s0 =	sadd.s32 @!p2 $0x138F8, s4;
	s5 =	simm.s32 @!p2 $0x19C00  }
0x8d: {  	[tilespmem:s5], [sflag:$0x4] =	stream.indirect.gather @!p2 [spmem:s2], $0x80, s0, s1, $0xb8;
	[tilespmem:$0x1C400] =	vst v63  }
0x8e: {  	s8 =	sadd.s32 $0x2, s28;
	_ =	swait.ge [sflag:s15], $0x1400  }
0x8f: {  	p1 =	sgt.u32 s8, $0xF4;
	[sflag:s15] =	ssyncset.done $0x0  }
0x90: {  	s9 =	sadd.s32 $0x280, s25;
	s5 =	simm.s32 @!p1 $0xA;
	[sflag:s15] =	ssyncadd.s32 $0xFFFFEC00  }
0x91: {  	[hbm4b:s9+s3] =	stream.linear.scatter [tilespmem:s13], [sflag:$0x7], $0x1400, $0x38;
	[tilespmem:$0x1C400] =	vst v63  }
0x92: {  	_ =	swait.ge @!p1 [sflag:s5], $0x1400  }
0x93: {  	s0 =	sshra.s32 @!p1 s26, $0x2;
	s7 =	simm.s32 @!p1 $0x28;
	[sflag:s5] =	ssyncset.done @!p1 $0x0  }
0x94: {  	s8 =	simm.s32 @!p1 $0x1B000;
	s0 =	sadd.s32 @!p1 $0x13920, s0;
	[sflag:s5] =	ssyncadd.s32 @!p1 $0xFFFFEC00  }
0x95: {  	[tilespmem:s8], [sflag:$0x5] =	stream.indirect.gather @!p1 [spmem:s2], $0x80, s0, s7, $0xb8;
	[tilespmem:$0x1C400] =	vst v63  }
0x96: {  	s0 =	sadd.s32 @!p2 $0x13920, s4;
	s4 =	simm.s32 @!p2 $0x1B000  }
0x97: {  	[tilespmem:s4], [sflag:$0x5] =	stream.indirect.gather @!p2 [spmem:s2], $0x80, s0, s1, $0xb8;
	[tilespmem:$0x1C400] =	vst v63  }
0x98: {  	_ =	swait.ge [sflag:s16], $0x1400  }
0x99: {  	s12 =	sadd.s32 $0x500, s25;
	p1 =	seq.s32 s26, $0x9920;
	[sflag:s16] =	ssyncset.done $0x0  }
0x9a: {  	s4 =	simm.s32 @!p1 $0x6;
	s10 =	rddreg [dreg:$0x5];
	[sflag:s16] =	ssyncadd.s32 $0xFFFFEC00  }
0x9b: {  	[hbm4b:s12+s3] =	stream.linear.scatter [tilespmem:s10], [sflag:$0x8], $0x1400, $0x38;
	[tilespmem:$0x1C400] =	vst v63  }
0x9c: {  	_ =	swait.ge @!p1 [sflag:s4], $0x1400  }
0x9d: {  	s5 =	simm.s32 @!p1 $0x28;
	s0 =	sshra.s32 @!p1 s26, $0x2;
	[sflag:s4] =	ssyncset.done @!p1 $0x0  }
0x9e: {  	s7 =	simm.s32 @!p1 $0x16000;
	s1 =	sadd.s32 @!p1 $0x13948, s0;
	[sflag:s4] =	ssyncadd.s32 @!p1 $0xFFFFEC00  }
0x9f: {  	[tilespmem:s7], [sflag:$0x1] =	stream.indirect.gather @!p1 [spmem:s2], $0x80, s1, s5, $0xb8;
	[tilespmem:$0x1C400] =	vst v63  }
0xa0: {  	_ =	swait.ge [sflag:s17], $0x1400  }
0xa1: {  	s28 =	sadd.s32 $0x780, s25;
	[sflag:s17] =	ssyncset.done $0x0  }
0xa2: {  	s7 =	simm.s32 @!p1 $0x7;
	s26 =	rddreg [dreg:$0x6];
	[sflag:s17] =	ssyncadd.s32 $0xFFFFEC00  }
0xa3: {  	[hbm4b:s28+s3] =	stream.linear.scatter [tilespmem:s26], [sflag:$0x9], $0x1400, $0x38;
	[tilespmem:$0x1C400] =	vst v63  }
0xa4: {  	_ =	swait.ge @!p1 [sflag:s7], $0x1400  }
0xa5: {  	[sflag:s7] =	ssyncset.done @!p1 $0x0  }
0xa6: {  	s0 =	sadd.s32 @!p1 $0x13970, s0;
	s1 =	simm.s32 @!p1 $0x17400;
	[sflag:s7] =	ssyncadd.s32 @!p1 $0xFFFFEC00  }
0xa7: {  	[tilespmem:s1], [sflag:$0x2] =	stream.indirect.gather @!p1 [spmem:s2], $0x80, s0, s5, $0xb8;
	[tilespmem:$0x1C400] =	vst v63  }
0xa8: {  	_ =	swait.ge [sflag:s18], $0x1400  }
0xa9: {  	[sflag:s18] =	ssyncset.done $0x0  }
0xaa: {  	s30 =	sadd.s32 $0xA00, s25;
	s29 =	rddreg [dreg:$0x7];
	[sflag:s18] =	ssyncadd.s32 $0xFFFFEC00  }
0xab: {  	[hbm4b:s30+s3] =	stream.linear.scatter [tilespmem:s29], [sflag:$0xA], $0x1400, $0x38;
	[tilespmem:$0x1C400] =	vst v63  }
0xac: {  	_ =	swait.ge [sflag:s19], $0x1400  }
0xad: {  	[sflag:s19] =	ssyncset.done $0x0  }
0xae: {  	[sflag:s19] =	ssyncadd.s32 $0xFFFFEC00  }
0xaf: {  	_ =	swait.ge [sflag:s20], $0x1400  }
0xb0: {  	[sflag:s20] =	ssyncset.done $0x0  }
0xb1: {  	[sflag:s20] =	ssyncadd.s32 $0xFFFFEC00  }
0xb2: {  	_ =	swait.ge [sflag:s21], $0x1400  }
0xb3: {  	[sflag:s21] =	ssyncset.done $0x0  }
0xb4: {  	[sflag:s21] =	ssyncadd.s32 $0xFFFFEC00  }
0xb5: {  	_ =	swait.ge [sflag:s22], $0x1400  }
0xb6: {  	[sflag:s22] =	ssyncset.done $0x0  }
0xb7: {  	[sflag:s22] =	ssyncadd.s32 $0xFFFFEC00  }
0xb8: {  	_ =	swait.ge [sflag:s23], $0x1400  }
0xb9: {  	s24 =	sadd.s32 $0x1, s24;
	s31 =	rddreg [dreg:$0x9]  }
0xba: {  	p1 =	sne.s32 s24, s31  }
.Ltmp1:
0xbb: {  	_ = 	snop;
	(pc) =	sbr.rel @p1 .LBB2_1-.Ltmp1, $3  }
0xbc: {  	_ =	sdelay $0x1  }
0xbd: {  	[sflag:s23] =	ssyncset.done $0x0  }
0xbe: {  	[sflag:s23] =	ssyncadd.s32 $0xFFFFEC00  }
0xbf: {  	_ =	sfence.sel $0x180000  }
0xc0: {  	[bflag:$0x0] =	sbarrier.arrive $0xFFFF  }
0xc1: {  	_ =	strace $0x90000047  }
0xc2: {  	[bflag:$0x2] =	sbarrier.arrive $0xFFFF  }
0xc3: {  	s0 =	rddreg [dreg:$0x4]  }
0xc4: {  	s0 =	sadd.s32 @!p0 $0x100000, s0  }
0xc5: {  	[sflag:s0] =	ssyncadd.tile.s32 @!p0 $0x1;
	_ =	shalt  }
.Lfunc_end2:
_tile_overlayer_lowered:
.L_overlay_start_2:
0xc6: {  	(tag) =	ssettag $0x2  }
0xc7: {  	s0 =	rddreg [dreg:$0x0];
	s2 =	stileid.u32  }
0xc8: {  	s1 =	rddreg [dreg:$0x1];
	p0 =	sne.s32 s2, $0x0  }
0xc9: {  	s3 =	rddreg [dreg:$0x2];
	[bflag:$0x3] =	sbarrier.arrive $0xFFFF;
	s2 =	simm.s32 @!p0 $0x1C0B  }
0xca: {  	[timem:s3], [sflag:s2] =	dma.local @!p0 [hbm:s0], s1  }
0xcb: {  	s0 =	simm.s32 @!p0 $0xB  }
0xcc: {  	_ =	swait.ge @!p0 [sflag:s0], s1  }
0xcd: {  	s1 =	ssub.s32 @!p0 $0x0, s1;
	[sflag:s0] =	ssyncset.done @!p0 $0x0  }
0xce: {  	[sflag:s0] =	ssyncadd.s32 @!p0 s1  }
0xcf: {  	[bflag:$0x3] =	sbarrier.arrive $0xFFFF  }
0xd0: {  	_ =	shalt  }

</sc_bundles>
